<compile_context>
chip_gen: v7x
topology: tpu7x:2x2x1
jax: 0.10.2.dev20260603
libtpu: 0.0.44.dev20260713+nightly
codegen_flags: <defaults>
</compile_context>

<pallas_src>
import jax
import jax.numpy as jnp
from jax import lax
from jax.experimental import pallas as pl
from jax.experimental.pallas import tpu as pltpu
from jax.experimental.pallas import tpu_sc as plsc

NUM_EXPERTS = 64
TOP_K = 8
BLOCK_T = 1024
_INT_MIN = -(2**31)
N_TOKENS = 32768
N_WORKERS = 32
ROWS_PER_W = N_TOKENS // N_WORKERS
PAIRS_PER_W = ROWS_PER_W // 2


def _matmul_block(x_ref, w_ref, lout_ref):
    logits_t = jax.lax.dot_general(
        w_ref[...], x_ref[...],
        (((1,), (1,)), ((), ())),
        preferred_element_type=jnp.float32,
    )
    lout_ref[...] = logits_t.T


def _tc_logits(x, W):
    n_tokens, d_model = x.shape
    return pl.pallas_call(
        _matmul_block,
        grid=(n_tokens // BLOCK_T,),
        in_specs=[
            pl.BlockSpec((BLOCK_T, d_model), lambda i: (i, 0)),
            pl.BlockSpec((NUM_EXPERTS, d_model), lambda i: (0, 0)),
        ],
        out_specs=pl.BlockSpec((BLOCK_T, NUM_EXPERTS), lambda i: (i, 0)),
        out_shape=jax.ShapeDtypeStruct((n_tokens, NUM_EXPERTS), jnp.float32),
        compiler_params=pltpu.CompilerParams(
            dimension_semantics=("arbitrary",),
        ),
    )(x, W)


def _gather16(x, idx):
    return jax.lax.gather(
        x, idx[:, None],
        jax.lax.GatherDimensionNumbers(
            offset_dims=(), collapsed_slice_dims=(0,), start_index_map=(0,)),
        slice_sizes=(1,),
        mode=jax.lax.GatherScatterMode.PROMISE_IN_BOUNDS,
    )


def _bcast_max(m):
    iota = jax.lax.iota(jnp.int32, 16)
    for s in (1, 2, 4, 8):
        m = jnp.maximum(m, _gather16(m, iota ^ s))
    return m


def _bcast_sum(m):
    iota = jax.lax.iota(jnp.int32, 16)
    for s in (1, 2, 4, 8):
        m = m + _gather16(m, iota ^ s)
    return m


def _pack_keys(vals, j):
    bits = jax.lax.bitcast_convert_type(vals, jnp.int32)
    okey = jnp.where(bits >= 0, bits, jnp.int32(_INT_MIN) - bits)
    eid = jax.lax.iota(jnp.int32, 16) + jnp.int32(16 * j)
    return (okey & jnp.int32(~63)) | (jnp.int32(63) - eid)


def _row_top8(buf, r):
    iota = jax.lax.iota(jnp.int32, 16)
    keys = [_pack_keys(buf[pl.ds(r * 64 + 16 * j, 16)], j) for j in range(4)]
    neg = jnp.full((16,), _INT_MIN, jnp.int32)
    out = jnp.zeros((16,), jnp.int32)
    mx0 = None
    for k in range(TOP_K):
        m = jnp.maximum(jnp.maximum(keys[0], keys[1]),
                        jnp.maximum(keys[2], keys[3]))
        mk = _bcast_max(m)
        if k == 0:
            mx0 = mk
        keys = [jnp.where(kk == mk, neg, kk) for kk in keys]
        out = jnp.where(iota == k, mk, out)

    idx = jnp.int32(63) - (out & jnp.int32(63))
    kq = out & jnp.int32(~63)
    vbits = jnp.where(kq >= 0, kq, jnp.int32(_INT_MIN) - kq)
    lsel = jax.lax.bitcast_convert_type(vbits, jnp.float32)
    mq = mx0 & jnp.int32(~63)
    mbits = jnp.where(mq >= 0, mq, jnp.int32(_INT_MIN) - mq)
    mxv = jax.lax.bitcast_convert_type(mbits, jnp.float32)
    e = jnp.exp(lsel - mxv)
    esel = jnp.where(iota < TOP_K, e, jnp.float32(0.0))
    return esel / _bcast_sum(esel), idx


def _sc_topk_body(logits_hbm, wout_hbm, iout_hbm, buf, wbuf, ibuf):
    wid = lax.axis_index("s") * 2 + lax.axis_index("c")
    base = wid * ROWS_PER_W
    pltpu.sync_copy(
        logits_hbm.at[pl.ds(base * NUM_EXPERTS, ROWS_PER_W * NUM_EXPERTS)],
        buf)

    def body(t, carry):
        for u in range(2):
            r = t * 2 + u
            w16, i16 = _row_top8(buf, r)
            wbuf[pl.ds(r * 16, 16)] = w16
            ibuf[pl.ds(r * 16, 16)] = i16
        return carry

    lax.fori_loop(0, PAIRS_PER_W, body, 0)
    pltpu.sync_copy(wbuf, wout_hbm.at[pl.ds(base * 16, ROWS_PER_W * 16)])
    pltpu.sync_copy(ibuf, iout_hbm.at[pl.ds(base * 16, ROWS_PER_W * 16)])


_sc_topk = pl.kernel(
    _sc_topk_body,
    out_type=[
        jax.ShapeDtypeStruct((N_TOKENS * 16,), jnp.float32),
        jax.ShapeDtypeStruct((N_TOKENS * 16,), jnp.int32),
    ],
    mesh=plsc.VectorSubcoreMesh(core_axis_name="c", subcore_axis_name="s"),
    scratch_types=[
        pltpu.VMEM((ROWS_PER_W * NUM_EXPERTS,), jnp.float32),
        pltpu.VMEM((ROWS_PER_W * 16,), jnp.float32),
        pltpu.VMEM((ROWS_PER_W * 16,), jnp.int32),
    ],
)


def kernel(x, W):
    logits = _tc_logits(x, W)
    w16, i16 = _sc_topk(logits.reshape(-1))
    w16 = w16.reshape(N_TOKENS, 16)
    i16 = i16.reshape(N_TOKENS, 16)
    return (w16[:, :TOP_K], i16[:, :TOP_K], logits)

# --- scband reference (transcript-rebuilt; emitter-appended) ---
"""Pipeline reference for scband-top-krouter-17334488007371 (READ-ONLY COPY).

The authoritative reference and input builder live on the scoring server;
editing this copy changes nothing except your own understanding.
"""

import jax, jax.numpy as jnp
import numpy as np

D_MODEL = 4096
NUM_EXPERTS = 64
TOP_K = 8
NUM_TOKENS = 32768


def setup_inputs(seed: int = 0) -> dict:
    key = jax.random.key(seed)
    kx, kw = jax.random.split(key)
    x = jax.random.normal(kx, (NUM_TOKENS, D_MODEL), dtype=jnp.float32)
    # nn.Linear(d_model, num_experts, bias=False).weight has shape [num_experts, d_model]
    W = jax.random.normal(kw, (NUM_EXPERTS, D_MODEL), dtype=jnp.float32) * (1.0 / np.sqrt(D_MODEL))
    return {"x": x, "W": W}


def reference(x, W):
    # router_logits = gate(x) == x @ W.T
    router_logits = jnp.dot(x, W.T)
    scores = jax.nn.softmax(router_logits, axis=-1)
    top_k_weights, top_k_indices = jax.lax.top_k(scores, TOP_K)
    top_k_weights = top_k_weights / jnp.sum(top_k_weights, axis=-1, keepdims=True)
    return (top_k_weights, top_k_indices, router_logits)

if __name__ == "__main__":
    import jax
    _d = setup_inputs()
    print(jax.jit(kernel)(*tuple(_d.values())))

</pallas_src>

<mosaic_0001>
#map = affine_map<(d0, d1) -> (0)>
module attributes {stable_mosaic.version = 14 : i64} {
  func.func @_sc_topk_body(%arg0: i32, %arg1: i32, %arg2: memref<2097152xf32, #tpu.memory_space<hbm>>, %arg3: memref<524288xf32, #tpu.memory_space<hbm>>, %arg4: memref<524288xi32, #tpu.memory_space<hbm>>, %arg5: memref<65536xf32, #tpu.memory_space<vmem>>, %arg6: memref<16384xf32, #tpu.memory_space<vmem>>, %arg7: memref<16384xi32, #tpu.memory_space<vmem>>) attributes {dimension_semantics = [#tpu.dimension_semantics<core_parallel>, #tpu.dimension_semantics<subcore_parallel>], iteration_bounds = array<i64: 2, 16>, scalar_prefetch = 0 : i64, scratch_operands = 3 : i64, tpu.core_type = #tpu.core_type<sc_vector_subcore>, window_params = [{transform_indices = #map}, {transform_indices = #map}, {transform_indices = #map}]} {
    %mul3A = arith.constant 2 : i32
    %mul3A_0 = arith.muli %arg1, %mul3A : i32
    %add3A = arith.addi %mul3A_0, %arg0 : i32
    %mul3A_1 = arith.constant 1024 : i32
    %mul3A_2 = arith.muli %add3A, %mul3A_1 : i32
    %mul3A_3 = arith.constant 64 : i32
    %mul3A_4 = arith.muli %mul3A_2, %mul3A_3 : i32
    "tpu.region"() ({
      %run_scoped3A = tpu.sem_alloc : memref<!tpu.dma_semaphore, #tpu.memory_space<semaphore_mem>>
      %dma_start3A = tpu.memref_slice %arg2[%mul3A_4] : memref<2097152xf32, #tpu.memory_space<hbm>> -> memref<65536xf32, #tpu.memory_space<hbm>>
      %dma_start3A_14 = tpu.memref_slice %arg2[%mul3A_4] : memref<2097152xf32, #tpu.memory_space<hbm>> -> memref<65536xf32, #tpu.memory_space<hbm>>
      tpu.enqueue_dma source(%dma_start3A_14 : memref<65536xf32, #tpu.memory_space<hbm>>) target(%arg5 : memref<65536xf32, #tpu.memory_space<vmem>>) target_semaphore(%run_scoped3A : memref<!tpu.dma_semaphore, #tpu.memory_space<semaphore_mem>>)
      %dma_wait3A = tpu.memref_slice %arg2[%mul3A_4] : memref<2097152xf32, #tpu.memory_space<hbm>> -> memref<65536xf32, #tpu.memory_space<hbm>>
      %dma_wait3A_15 = tpu.memref_slice %arg2[%mul3A_4] : memref<2097152xf32, #tpu.memory_space<hbm>> -> memref<65536xf32, #tpu.memory_space<hbm>>
      tpu.wait_dma2 semaphore(%run_scoped3A : memref<!tpu.dma_semaphore, #tpu.memory_space<semaphore_mem>>) src(%dma_wait3A_15 : memref<65536xf32, #tpu.memory_space<hbm>>) dst(%arg5 : memref<65536xf32, #tpu.memory_space<vmem>>)
      tpu.yield
    }) : () -> ()
    %scan3A = arith.constant 0 : i32
    %scan3A_5 = arith.constant 0 : i32
    %scan3A_6 = arith.constant 512 : i32
    %scan3A_7 = arith.addi %scan3A_5, %scan3A_6 : i32
    %scan3A_8 = arith.constant 1 : i32
    scf.for %scan3A_14 = %scan3A_5 to %scan3A_7 step %scan3A_8  : i32 {
      %mul3A_15 = arith.constant 2 : i32
      %mul3A_16 = arith.muli %scan3A_14, %mul3A_15 : i32
      %add3A_17 = arith.constant 0 : i32
      %add3A_18 = arith.addi %mul3A_16, %add3A_17 : i32
      %iota3A = tpu.iota {dimensions = array<i32: 0>} : vector<16xi32>
      %mul3A_19 = arith.constant 64 : i32
      %mul3A_20 = arith.muli %add3A_18, %mul3A_19 : i32
      %add3A_21 = arith.constant 0 : i32
      %add3A_22 = arith.addi %mul3A_20, %add3A_21 : i32
      %get3A = arith.index_cast %add3A_22 : i32 to index
      %get3A_23 = tpu.vector_load %arg5[%get3A] {strides = array<i32>} : memref<65536xf32, #tpu.memory_space<vmem>>, vector<16xf32>,
      %get3A_24 = vector.shape_cast %get3A_23 : vector<16xf32> to vector<16xf32>
      %bitcast_convert_type3A = tpu.bitcast %get3A_24 : vector<16xf32> -> vector<16xi32>
      %ge3A = arith.constant 0 : i32
      %ge3A_25 = vector.broadcast %ge3A : i32 to vector<16xi32>
      %ge3A_26 = arith.cmpi sge, %bitcast_convert_type3A, %ge3A_25 : vector<16xi32>
      %sub3A = arith.constant -2147483648 : i32
      %sub3A_27 = vector.broadcast %sub3A : i32 to vector<16xi32>
      %sub3A_28 = arith.subi %sub3A_27, %bitcast_convert_type3A : vector<16xi32>
      %select_n3A = arith.select %ge3A_26, %bitcast_convert_type3A, %sub3A_28 : vector<16xi1>, vector<16xi32>
      %iota3A_29 = tpu.iota {dimensions = array<i32: 0>} : vector<16xi32>
      %add3A_30 = arith.constant 0 : i32
      %add3A_31 = vector.broadcast %add3A_30 : i32 to vector<16xi32>
      %add3A_32 = arith.addi %iota3A_29, %add3A_31 : vector<16xi32>
      %and3A = arith.constant -64 : i32
      %and3A_33 = vector.broadcast %and3A : i32 to vector<16xi32>
      %and3A_34 = arith.andi %select_n3A, %and3A_33 : vector<16xi32>
      %sub3A_35 = arith.constant 63 : i32
      %sub3A_36 = vector.broadcast %sub3A_35 : i32 to vector<16xi32>
      %sub3A_37 = arith.subi %sub3A_36, %add3A_32 : vector<16xi32>
      %or3A = arith.ori %and3A_34, %sub3A_37 : vector<16xi32>
      %mul3A_38 = arith.constant 64 : i32
      %mul3A_39 = arith.muli %add3A_18, %mul3A_38 : i32
      %add3A_40 = arith.constant 16 : i32
      %add3A_41 = arith.addi %mul3A_39, %add3A_40 : i32
      %get3A_42 = arith.index_cast %add3A_41 : i32 to index
      %get3A_43 = tpu.vector_load %arg5[%get3A_42] {strides = array<i32>} : memref<65536xf32, #tpu.memory_space<vmem>>, vector<16xf32>,
      %get3A_44 = vector.shape_cast %get3A_43 : vector<16xf32> to vector<16xf32>
      %bitcast_convert_type3A_45 = tpu.bitcast %get3A_44 : vector<16xf32> -> vector<16xi32>
      %ge3A_46 = arith.constant 0 : i32
      %ge3A_47 = vector.broadcast %ge3A_46 : i32 to vector<16xi32>
      %ge3A_48 = arith.cmpi sge, %bitcast_convert_type3A_45, %ge3A_47 : vector<16xi32>
      %sub3A_49 = arith.constant -2147483648 : i32
      %sub3A_50 = vector.broadcast %sub3A_49 : i32 to vector<16xi32>
      %sub3A_51 = arith.subi %sub3A_50, %bitcast_convert_type3A_45 : vector<16xi32>
      %select_n3A_52 = arith.select %ge3A_48, %bitcast_convert_type3A_45, %sub3A_51 : vector<16xi1>, vector<16xi32>
      %iota3A_53 = tpu.iota {dimensions = array<i32: 0>} : vector<16xi32>
      %add3A_54 = arith.constant 16 : i32
      %add3A_55 = vector.broadcast %add3A_54 : i32 to vector<16xi32>
      %add3A_56 = arith.addi %iota3A_53, %add3A_55 : vector<16xi32>
      %and3A_57 = arith.constant -64 : i32
      %and3A_58 = vector.broadcast %and3A_57 : i32 to vector<16xi32>
      %and3A_59 = arith.andi %select_n3A_52, %and3A_58 : vector<16xi32>
      %sub3A_60 = arith.constant 63 : i32
      %sub3A_61 = vector.broadcast %sub3A_60 : i32 to vector<16xi32>
      %sub3A_62 = arith.subi %sub3A_61, %add3A_56 : vector<16xi32>
      %or3A_63 = arith.ori %and3A_59, %sub3A_62 : vector<16xi32>
      %mul3A_64 = arith.constant 64 : i32
      %mul3A_65 = arith.muli %add3A_18, %mul3A_64 : i32
      %add3A_66 = arith.constant 32 : i32
      %add3A_67 = arith.addi %mul3A_65, %add3A_66 : i32
      %get3A_68 = arith.index_cast %add3A_67 : i32 to index
      %get3A_69 = tpu.vector_load %arg5[%get3A_68] {strides = array<i32>} : memref<65536xf32, #tpu.memory_space<vmem>>, vector<16xf32>,
      %get3A_70 = vector.shape_cast %get3A_69 : vector<16xf32> to vector<16xf32>
      %bitcast_convert_type3A_71 = tpu.bitcast %get3A_70 : vector<16xf32> -> vector<16xi32>
      %ge3A_72 = arith.constant 0 : i32
      %ge3A_73 = vector.broadcast %ge3A_72 : i32 to vector<16xi32>
      %ge3A_74 = arith.cmpi sge, %bitcast_convert_type3A_71, %ge3A_73 : vector<16xi32>
      %sub3A_75 = arith.constant -2147483648 : i32
      %sub3A_76 = vector.broadcast %sub3A_75 : i32 to vector<16xi32>
      %sub3A_77 = arith.subi %sub3A_76, %bitcast_convert_type3A_71 : vector<16xi32>
      %select_n3A_78 = arith.select %ge3A_74, %bitcast_convert_type3A_71, %sub3A_77 : vector<16xi1>, vector<16xi32>
      %iota3A_79 = tpu.iota {dimensions = array<i32: 0>} : vector<16xi32>
      %add3A_80 = arith.constant 32 : i32
      %add3A_81 = vector.broadcast %add3A_80 : i32 to vector<16xi32>
      %add3A_82 = arith.addi %iota3A_79, %add3A_81 : vector<16xi32>
      %and3A_83 = arith.constant -64 : i32
      %and3A_84 = vector.broadcast %and3A_83 : i32 to vector<16xi32>
      %and3A_85 = arith.andi %select_n3A_78, %and3A_84 : vector<16xi32>
      %sub3A_86 = arith.constant 63 : i32
      %sub3A_87 = vector.broadcast %sub3A_86 : i32 to vector<16xi32>
      %sub3A_88 = arith.subi %sub3A_87, %add3A_82 : vector<16xi32>
      %or3A_89 = arith.ori %and3A_85, %sub3A_88 : vector<16xi32>
      %mul3A_90 = arith.constant 64 : i32
      %mul3A_91 = arith.muli %add3A_18, %mul3A_90 : i32
      %add3A_92 = arith.constant 48 : i32
      %add3A_93 = arith.addi %mul3A_91, %add3A_92 : i32
      %get3A_94 = arith.index_cast %add3A_93 : i32 to index
      %get3A_95 = tpu.vector_load %arg5[%get3A_94] {strides = array<i32>} : memref<65536xf32, #tpu.memory_space<vmem>>, vector<16xf32>,
      %get3A_96 = vector.shape_cast %get3A_95 : vector<16xf32> to vector<16xf32>
      %bitcast_convert_type3A_97 = tpu.bitcast %get3A_96 : vector<16xf32> -> vector<16xi32>
      %ge3A_98 = arith.constant 0 : i32
      %ge3A_99 = vector.broadcast %ge3A_98 : i32 to vector<16xi32>
      %ge3A_100 = arith.cmpi sge, %bitcast_convert_type3A_97, %ge3A_99 : vector<16xi32>
      %sub3A_101 = arith.constant -2147483648 : i32
      %sub3A_102 = vector.broadcast %sub3A_101 : i32 to vector<16xi32>
      %sub3A_103 = arith.subi %sub3A_102, %bitcast_convert_type3A_97 : vector<16xi32>
      %select_n3A_104 = arith.select %ge3A_100, %bitcast_convert_type3A_97, %sub3A_103 : vector<16xi1>, vector<16xi32>
      %iota3A_105 = tpu.iota {dimensions = array<i32: 0>} : vector<16xi32>
      %add3A_106 = arith.constant 48 : i32
      %add3A_107 = vector.broadcast %add3A_106 : i32 to vector<16xi32>
      %add3A_108 = arith.addi %iota3A_105, %add3A_107 : vector<16xi32>
      %and3A_109 = arith.constant -64 : i32
      %and3A_110 = vector.broadcast %and3A_109 : i32 to vector<16xi32>
      %and3A_111 = arith.andi %select_n3A_104, %and3A_110 : vector<16xi32>
      %sub3A_112 = arith.constant 63 : i32
      %sub3A_113 = vector.broadcast %sub3A_112 : i32 to vector<16xi32>
      %sub3A_114 = arith.subi %sub3A_113, %add3A_108 : vector<16xi32>
      %or3A_115 = arith.ori %and3A_111, %sub3A_114 : vector<16xi32>
      %broadcast_in_dim3A = arith.constant -2147483648 : i32
      %broadcast_in_dim3A_116 = vector.broadcast %broadcast_in_dim3A : i32 to vector<16xi32>
      %broadcast_in_dim3A_117 = arith.constant 0 : i32
      %broadcast_in_dim3A_118 = vector.broadcast %broadcast_in_dim3A_117 : i32 to vector<16xi32>
      %max3A = arith.maxsi %or3A, %or3A_63 : vector<16xi32>
      %max3A_119 = arith.maxsi %or3A_89, %or3A_115 : vector<16xi32>
      %max3A_120 = arith.maxsi %max3A, %max3A_119 : vector<16xi32>
      %iota3A_121 = tpu.iota {dimensions = array<i32: 0>} : vector<16xi32>
      %xor3A = arith.constant 1 : i32
      %xor3A_122 = vector.broadcast %xor3A : i32 to vector<16xi32>
      %xor3A_123 = arith.xori %iota3A_121, %xor3A_122 : vector<16xi32>
      %broadcast_in_dim3A_124 = vector.shape_cast %xor3A_123 : vector<16xi32> to vector<16x1xi32>
      %gather3A = vector.shape_cast %broadcast_in_dim3A_124 : vector<16x1xi32> to vector<16xi32>
      %gather3A_125 = tpu.dynamic_gather %max3A_120[%gather3A] in [0] : vector<16xi32>, vector<16xi32> -> vector<16xi32>
      %max3A_126 = arith.maxsi %max3A_120, %gather3A_125 : vector<16xi32>
      %xor3A_127 = arith.constant 2 : i32
      %xor3A_128 = vector.broadcast %xor3A_127 : i32 to vector<16xi32>
      %xor3A_129 = arith.xori %iota3A_121, %xor3A_128 : vector<16xi32>
      %broadcast_in_dim3A_130 = vector.shape_cast %xor3A_129 : vector<16xi32> to vector<16x1xi32>
      %gather3A_131 = vector.shape_cast %broadcast_in_dim3A_130 : vector<16x1xi32> to vector<16xi32>
      %gather3A_132 = tpu.dynamic_gather %max3A_126[%gather3A_131] in [0] : vector<16xi32>, vector<16xi32> -> vector<16xi32>
      %max3A_133 = arith.maxsi %max3A_126, %gather3A_132 : vector<16xi32>
      %xor3A_134 = arith.constant 4 : i32
      %xor3A_135 = vector.broadcast %xor3A_134 : i32 to vector<16xi32>
      %xor3A_136 = arith.xori %iota3A_121, %xor3A_135 : vector<16xi32>
      %broadcast_in_dim3A_137 = vector.shape_cast %xor3A_136 : vector<16xi32> to vector<16x1xi32>
      %gather3A_138 = vector.shape_cast %broadcast_in_dim3A_137 : vector<16x1xi32> to vector<16xi32>
      %gather3A_139 = tpu.dynamic_gather %max3A_133[%gather3A_138] in [0] : vector<16xi32>, vector<16xi32> -> vector<16xi32>
      %max3A_140 = arith.maxsi %max3A_133, %gather3A_139 : vector<16xi32>
      %xor3A_141 = arith.constant 8 : i32
      %xor3A_142 = vector.broadcast %xor3A_141 : i32 to vector<16xi32>
      %xor3A_143 = arith.xori %iota3A_121, %xor3A_142 : vector<16xi32>
      %broadcast_in_dim3A_144 = vector.shape_cast %xor3A_143 : vector<16xi32> to vector<16x1xi32>
      %gather3A_145 = vector.shape_cast %broadcast_in_dim3A_144 : vector<16x1xi32> to vector<16xi32>
      %gather3A_146 = tpu.dynamic_gather %max3A_140[%gather3A_145] in [0] : vector<16xi32>, vector<16xi32> -> vector<16xi32>
      %max3A_147 = arith.maxsi %max3A_140, %gather3A_146 : vector<16xi32>
      %eq3A = arith.cmpi eq, %or3A, %max3A_147 : vector<16xi32>
      %select_n3A_148 = arith.select %eq3A, %broadcast_in_dim3A_116, %or3A : vector<16xi1>, vector<16xi32>
      %eq3A_149 = arith.cmpi eq, %or3A_63, %max3A_147 : vector<16xi32>
      %select_n3A_150 = arith.select %eq3A_149, %broadcast_in_dim3A_116, %or3A_63 : vector<16xi1>, vector<16xi32>
      %eq3A_151 = arith.cmpi eq, %or3A_89, %max3A_147 : vector<16xi32>
      %select_n3A_152 = arith.select %eq3A_151, %broadcast_in_dim3A_116, %or3A_89 : vector<16xi1>, vector<16xi32>
      %eq3A_153 = arith.cmpi eq, %or3A_115, %max3A_147 : vector<16xi32>
      %select_n3A_154 = arith.select %eq3A_153, %broadcast_in_dim3A_116, %or3A_115 : vector<16xi1>, vector<16xi32>
      %eq3A_155 = arith.constant 0 : i32
      %eq3A_156 = vector.broadcast %eq3A_155 : i32 to vector<16xi32>
      %eq3A_157 = arith.cmpi eq, %iota3A, %eq3A_156 : vector<16xi32>
      %select_n3A_158 = arith.select %eq3A_157, %max3A_147, %broadcast_in_dim3A_118 : vector<16xi1>, vector<16xi32>
      %max3A_159 = arith.maxsi %select_n3A_148, %select_n3A_150 : vector<16xi32>
      %max3A_160 = arith.maxsi %select_n3A_152, %select_n3A_154 : vector<16xi32>
      %max3A_161 = arith.maxsi %max3A_159, %max3A_160 : vector<16xi32>
      %iota3A_162 = tpu.iota {dimensions = array<i32: 0>} : vector<16xi32>
      %xor3A_163 = arith.constant 1 : i32
      %xor3A_164 = vector.broadcast %xor3A_163 : i32 to vector<16xi32>
      %xor3A_165 = arith.xori %iota3A_162, %xor3A_164 : vector<16xi32>
      %broadcast_in_dim3A_166 = vector.shape_cast %xor3A_165 : vector<16xi32> to vector<16x1xi32>
      %gather3A_167 = vector.shape_cast %broadcast_in_dim3A_166 : vector<16x1xi32> to vector<16xi32>
      %gather3A_168 = tpu.dynamic_gather %max3A_161[%gather3A_167] in [0] : vector<16xi32>, vector<16xi32> -> vector<16xi32>
      %max3A_169 = arith.maxsi %max3A_161, %gather3A_168 : vector<16xi32>
      %xor3A_170 = arith.constant 2 : i32
      %xor3A_171 = vector.broadcast %xor3A_170 : i32 to vector<16xi32>
      %xor3A_172 = arith.xori %iota3A_162, %xor3A_171 : vector<16xi32>
      %broadcast_in_dim3A_173 = vector.shape_cast %xor3A_172 : vector<16xi32> to vector<16x1xi32>
      %gather3A_174 = vector.shape_cast %broadcast_in_dim3A_173 : vector<16x1xi32> to vector<16xi32>
      %gather3A_175 = tpu.dynamic_gather %max3A_169[%gather3A_174] in [0] : vector<16xi32>, vector<16xi32> -> vector<16xi32>
      %max3A_176 = arith.maxsi %max3A_169, %gather3A_175 : vector<16xi32>
      %xor3A_177 = arith.constant 4 : i32
      %xor3A_178 = vector.broadcast %xor3A_177 : i32 to vector<16xi32>
      %xor3A_179 = arith.xori %iota3A_162, %xor3A_178 : vector<16xi32>
      %broadcast_in_dim3A_180 = vector.shape_cast %xor3A_179 : vector<16xi32> to vector<16x1xi32>
      %gather3A_181 = vector.shape_cast %broadcast_in_dim3A_180 : vector<16x1xi32> to vector<16xi32>
      %gather3A_182 = tpu.dynamic_gather %max3A_176[%gather3A_181] in [0] : vector<16xi32>, vector<16xi32> -> vector<16xi32>
      %max3A_183 = arith.maxsi %max3A_176, %gather3A_182 : vector<16xi32>
      %xor3A_184 = arith.constant 8 : i32
      %xor3A_185 = vector.broadcast %xor3A_184 : i32 to vector<16xi32>
      %xor3A_186 = arith.xori %iota3A_162, %xor3A_185 : vector<16xi32>
      %broadcast_in_dim3A_187 = vector.shape_cast %xor3A_186 : vector<16xi32> to vector<16x1xi32>
      %gather3A_188 = vector.shape_cast %broadcast_in_dim3A_187 : vector<16x1xi32> to vector<16xi32>
      %gather3A_189 = tpu.dynamic_gather %max3A_183[%gather3A_188] in [0] : vector<16xi32>, vector<16xi32> -> vector<16xi32>
      %max3A_190 = arith.maxsi %max3A_183, %gather3A_189 : vector<16xi32>
      %eq3A_191 = arith.cmpi eq, %select_n3A_148, %max3A_190 : vector<16xi32>
      %select_n3A_192 = arith.select %eq3A_191, %broadcast_in_dim3A_116, %select_n3A_148 : vector<16xi1>, vector<16xi32>
      %eq3A_193 = arith.cmpi eq, %select_n3A_150, %max3A_190 : vector<16xi32>
      %select_n3A_194 = arith.select %eq3A_193, %broadcast_in_dim3A_116, %select_n3A_150 : vector<16xi1>, vector<16xi32>
      %eq3A_195 = arith.cmpi eq, %select_n3A_152, %max3A_190 : vector<16xi32>
      %select_n3A_196 = arith.select %eq3A_195, %broadcast_in_dim3A_116, %select_n3A_152 : vector<16xi1>, vector<16xi32>
      %eq3A_197 = arith.cmpi eq, %select_n3A_154, %max3A_190 : vector<16xi32>
      %select_n3A_198 = arith.select %eq3A_197, %broadcast_in_dim3A_116, %select_n3A_154 : vector<16xi1>, vector<16xi32>
      %eq3A_199 = arith.constant 1 : i32
      %eq3A_200 = vector.broadcast %eq3A_199 : i32 to vector<16xi32>
      %eq3A_201 = arith.cmpi eq, %iota3A, %eq3A_200 : vector<16xi32>
      %select_n3A_202 = arith.select %eq3A_201, %max3A_190, %select_n3A_158 : vector<16xi1>, vector<16xi32>
      %max3A_203 = arith.maxsi %select_n3A_192, %select_n3A_194 : vector<16xi32>
      %max3A_204 = arith.maxsi %select_n3A_196, %select_n3A_198 : vector<16xi32>
      %max3A_205 = arith.maxsi %max3A_203, %max3A_204 : vector<16xi32>
      %iota3A_206 = tpu.iota {dimensions = array<i32: 0>} : vector<16xi32>
      %xor3A_207 = arith.constant 1 : i32
      %xor3A_208 = vector.broadcast %xor3A_207 : i32 to vector<16xi32>
      %xor3A_209 = arith.xori %iota3A_206, %xor3A_208 : vector<16xi32>
      %broadcast_in_dim3A_210 = vector.shape_cast %xor3A_209 : vector<16xi32> to vector<16x1xi32>
      %gather3A_211 = vector.shape_cast %broadcast_in_dim3A_210 : vector<16x1xi32> to vector<16xi32>
      %gather3A_212 = tpu.dynamic_gather %max3A_205[%gather3A_211] in [0] : vector<16xi32>, vector<16xi32> -> vector<16xi32>
      %max3A_213 = arith.maxsi %max3A_205, %gather3A_212 : vector<16xi32>
      %xor3A_214 = arith.constant 2 : i32
      %xor3A_215 = vector.broadcast %xor3A_214 : i32 to vector<16xi32>
      %xor3A_216 = arith.xori %iota3A_206, %xor3A_215 : vector<16xi32>
      %broadcast_in_dim3A_217 = vector.shape_cast %xor3A_216 : vector<16xi32> to vector<16x1xi32>
      %gather3A_218 = vector.shape_cast %broadcast_in_dim3A_217 : vector<16x1xi32> to vector<16xi32>
      %gather3A_219 = tpu.dynamic_gather %max3A_213[%gather3A_218] in [0] : vector<16xi32>, vector<16xi32> -> vector<16xi32>
      %max3A_220 = arith.maxsi %max3A_213, %gather3A_219 : vector<16xi32>
      %xor3A_221 = arith.constant 4 : i32
      %xor3A_222 = vector.broadcast %xor3A_221 : i32 to vector<16xi32>
      %xor3A_223 = arith.xori %iota3A_206, %xor3A_222 : vector<16xi32>
      %broadcast_in_dim3A_224 = vector.shape_cast %xor3A_223 : vector<16xi32> to vector<16x1xi32>
      %gather3A_225 = vector.shape_cast %broadcast_in_dim3A_224 : vector<16x1xi32> to vector<16xi32>
      %gather3A_226 = tpu.dynamic_gather %max3A_220[%gather3A_225] in [0] : vector<16xi32>, vector<16xi32> -> vector<16xi32>
      %max3A_227 = arith.maxsi %max3A_220, %gather3A_226 : vector<16xi32>
      %xor3A_228 = arith.constant 8 : i32
      %xor3A_229 = vector.broadcast %xor3A_228 : i32 to vector<16xi32>
      %xor3A_230 = arith.xori %iota3A_206, %xor3A_229 : vector<16xi32>
      %broadcast_in_dim3A_231 = vector.shape_cast %xor3A_230 : vector<16xi32> to vector<16x1xi32>
      %gather3A_232 = vector.shape_cast %broadcast_in_dim3A_231 : vector<16x1xi32> to vector<16xi32>
      %gather3A_233 = tpu.dynamic_gather %max3A_227[%gather3A_232] in [0] : vector<16xi32>, vector<16xi32> -> vector<16xi32>
      %max3A_234 = arith.maxsi %max3A_227, %gather3A_233 : vector<16xi32>
      %eq3A_235 = arith.cmpi eq, %select_n3A_192, %max3A_234 : vector<16xi32>
      %select_n3A_236 = arith.select %eq3A_235, %broadcast_in_dim3A_116, %select_n3A_192 : vector<16xi1>, vector<16xi32>
      %eq3A_237 = arith.cmpi eq, %select_n3A_194, %max3A_234 : vector<16xi32>
      %select_n3A_238 = arith.select %eq3A_237, %broadcast_in_dim3A_116, %select_n3A_194 : vector<16xi1>, vector<16xi32>
      %eq3A_239 = arith.cmpi eq, %select_n3A_196, %max3A_234 : vector<16xi32>
      %select_n3A_240 = arith.select %eq3A_239, %broadcast_in_dim3A_116, %select_n3A_196 : vector<16xi1>, vector<16xi32>
      %eq3A_241 = arith.cmpi eq, %select_n3A_198, %max3A_234 : vector<16xi32>
      %select_n3A_242 = arith.select %eq3A_241, %broadcast_in_dim3A_116, %select_n3A_198 : vector<16xi1>, vector<16xi32>
      %eq3A_243 = arith.constant 2 : i32
      %eq3A_244 = vector.broadcast %eq3A_243 : i32 to vector<16xi32>
      %eq3A_245 = arith.cmpi eq, %iota3A, %eq3A_244 : vector<16xi32>
      %select_n3A_246 = arith.select %eq3A_245, %max3A_234, %select_n3A_202 : vector<16xi1>, vector<16xi32>
      %max3A_247 = arith.maxsi %select_n3A_236, %select_n3A_238 : vector<16xi32>
      %max3A_248 = arith.maxsi %select_n3A_240, %select_n3A_242 : vector<16xi32>
      %max3A_249 = arith.maxsi %max3A_247, %max3A_248 : vector<16xi32>
      %iota3A_250 = tpu.iota {dimensions = array<i32: 0>} : vector<16xi32>
      %xor3A_251 = arith.constant 1 : i32
      %xor3A_252 = vector.broadcast %xor3A_251 : i32 to vector<16xi32>
      %xor3A_253 = arith.xori %iota3A_250, %xor3A_252 : vector<16xi32>
      %broadcast_in_dim3A_254 = vector.shape_cast %xor3A_253 : vector<16xi32> to vector<16x1xi32>
      %gather3A_255 = vector.shape_cast %broadcast_in_dim3A_254 : vector<16x1xi32> to vector<16xi32>
      %gather3A_256 = tpu.dynamic_gather %max3A_249[%gather3A_255] in [0] : vector<16xi32>, vector<16xi32> -> vector<16xi32>
      %max3A_257 = arith.maxsi %max3A_249, %gather3A_256 : vector<16xi32>
      %xor3A_258 = arith.constant 2 : i32
      %xor3A_259 = vector.broadcast %xor3A_258 : i32 to vector<16xi32>
      %xor3A_260 = arith.xori %iota3A_250, %xor3A_259 : vector<16xi32>
      %broadcast_in_dim3A_261 = vector.shape_cast %xor3A_260 : vector<16xi32> to vector<16x1xi32>
      %gather3A_262 = vector.shape_cast %broadcast_in_dim3A_261 : vector<16x1xi32> to vector<16xi32>
      %gather3A_263 = tpu.dynamic_gather %max3A_257[%gather3A_262] in [0] : vector<16xi32>, vector<16xi32> -> vector<16xi32>
      %max3A_264 = arith.maxsi %max3A_257, %gather3A_263 : vector<16xi32>
      %xor3A_265 = arith.constant 4 : i32
      %xor3A_266 = vector.broadcast %xor3A_265 : i32 to vector<16xi32>
      %xor3A_267 = arith.xori %iota3A_250, %xor3A_266 : vector<16xi32>
      %broadcast_in_dim3A_268 = vector.shape_cast %xor3A_267 : vector<16xi32> to vector<16x1xi32>
      %gather3A_269 = vector.shape_cast %broadcast_in_dim3A_268 : vector<16x1xi32> to vector<16xi32>
      %gather3A_270 = tpu.dynamic_gather %max3A_264[%gather3A_269] in [0] : vector<16xi32>, vector<16xi32> -> vector<16xi32>
      %max3A_271 = arith.maxsi %max3A_264, %gather3A_270 : vector<16xi32>
      %xor3A_272 = arith.constant 8 : i32
      %xor3A_273 = vector.broadcast %xor3A_272 : i32 to vector<16xi32>
      %xor3A_274 = arith.xori %iota3A_250, %xor3A_273 : vector<16xi32>
      %broadcast_in_dim3A_275 = vector.shape_cast %xor3A_274 : vector<16xi32> to vector<16x1xi32>
      %gather3A_276 = vector.shape_cast %broadcast_in_dim3A_275 : vector<16x1xi32> to vector<16xi32>
      %gather3A_277 = tpu.dynamic_gather %max3A_271[%gather3A_276] in [0] : vector<16xi32>, vector<16xi32> -> vector<16xi32>
      %max3A_278 = arith.maxsi %max3A_271, %gather3A_277 : vector<16xi32>
      %eq3A_279 = arith.cmpi eq, %select_n3A_236, %max3A_278 : vector<16xi32>
      %select_n3A_280 = arith.select %eq3A_279, %broadcast_in_dim3A_116, %select_n3A_236 : vector<16xi1>, vector<16xi32>
      %eq3A_281 = arith.cmpi eq, %select_n3A_238, %max3A_278 : vector<16xi32>
      %select_n3A_282 = arith.select %eq3A_281, %broadcast_in_dim3A_116, %select_n3A_238 : vector<16xi1>, vector<16xi32>
      %eq3A_283 = arith.cmpi eq, %select_n3A_240, %max3A_278 : vector<16xi32>
      %select_n3A_284 = arith.select %eq3A_283, %broadcast_in_dim3A_116, %select_n3A_240 : vector<16xi1>, vector<16xi32>
      %eq3A_285 = arith.cmpi eq, %select_n3A_242, %max3A_278 : vector<16xi32>
      %select_n3A_286 = arith.select %eq3A_285, %broadcast_in_dim3A_116, %select_n3A_242 : vector<16xi1>, vector<16xi32>
      %eq3A_287 = arith.constant 3 : i32
      %eq3A_288 = vector.broadcast %eq3A_287 : i32 to vector<16xi32>
      %eq3A_289 = arith.cmpi eq, %iota3A, %eq3A_288 : vector<16xi32>
      %select_n3A_290 = arith.select %eq3A_289, %max3A_278, %select_n3A_246 : vector<16xi1>, vector<16xi32>
      %max3A_291 = arith.maxsi %select_n3A_280, %select_n3A_282 : vector<16xi32>
      %max3A_292 = arith.maxsi %select_n3A_284, %select_n3A_286 : vector<16xi32>
      %max3A_293 = arith.maxsi %max3A_291, %max3A_292 : vector<16xi32>
      %iota3A_294 = tpu.iota {dimensions = array<i32: 0>} : vector<16xi32>
      %xor3A_295 = arith.constant 1 : i32
      %xor3A_296 = vector.broadcast %xor3A_295 : i32 to vector<16xi32>
      %xor3A_297 = arith.xori %iota3A_294, %xor3A_296 : vector<16xi32>
      %broadcast_in_dim3A_298 = vector.shape_cast %xor3A_297 : vector<16xi32> to vector<16x1xi32>
      %gather3A_299 = vector.shape_cast %broadcast_in_dim3A_298 : vector<16x1xi32> to vector<16xi32>
      %gather3A_300 = tpu.dynamic_gather %max3A_293[%gather3A_299] in [0] : vector<16xi32>, vector<16xi32> -> vector<16xi32>
      %max3A_301 = arith.maxsi %max3A_293, %gather3A_300 : vector<16xi32>
      %xor3A_302 = arith.constant 2 : i32
      %xor3A_303 = vector.broadcast %xor3A_302 : i32 to vector<16xi32>
      %xor3A_304 = arith.xori %iota3A_294, %xor3A_303 : vector<16xi32>
      %broadcast_in_dim3A_305 = vector.shape_cast %xor3A_304 : vector<16xi32> to vector<16x1xi32>
      %gather3A_306 = vector.shape_cast %broadcast_in_dim3A_305 : vector<16x1xi32> to vector<16xi32>
      %gather3A_307 = tpu.dynamic_gather %max3A_301[%gather3A_306] in [0] : vector<16xi32>, vector<16xi32> -> vector<16xi32>
      %max3A_308 = arith.maxsi %max3A_301, %gather3A_307 : vector<16xi32>
      %xor3A_309 = arith.constant 4 : i32
      %xor3A_310 = vector.broadcast %xor3A_309 : i32 to vector<16xi32>
      %xor3A_311 = arith.xori %iota3A_294, %xor3A_310 : vector<16xi32>
      %broadcast_in_dim3A_312 = vector.shape_cast %xor3A_311 : vector<16xi32> to vector<16x1xi32>
      %gather3A_313 = vector.shape_cast %broadcast_in_dim3A_312 : vector<16x1xi32> to vector<16xi32>
      %gather3A_314 = tpu.dynamic_gather %max3A_308[%gather3A_313] in [0] : vector<16xi32>, vector<16xi32> -> vector<16xi32>
      %max3A_315 = arith.maxsi %max3A_308, %gather3A_314 : vector<16xi32>
      %xor3A_316 = arith.constant 8 : i32
      %xor3A_317 = vector.broadcast %xor3A_316 : i32 to vector<16xi32>
      %xor3A_318 = arith.xori %iota3A_294, %xor3A_317 : vector<16xi32>
      %broadcast_in_dim3A_319 = vector.shape_cast %xor3A_318 : vector<16xi32> to vector<16x1xi32>
      %gather3A_320 = vector.shape_cast %broadcast_in_dim3A_319 : vector<16x1xi32> to vector<16xi32>
      %gather3A_321 = tpu.dynamic_gather %max3A_315[%gather3A_320] in [0] : vector<16xi32>, vector<16xi32> -> vector<16xi32>
      %max3A_322 = arith.maxsi %max3A_315, %gather3A_321 : vector<16xi32>
      %eq3A_323 = arith.cmpi eq, %select_n3A_280, %max3A_322 : vector<16xi32>
      %select_n3A_324 = arith.select %eq3A_323, %broadcast_in_dim3A_116, %select_n3A_280 : vector<16xi1>, vector<16xi32>
      %eq3A_325 = arith.cmpi eq, %select_n3A_282, %max3A_322 : vector<16xi32>
      %select_n3A_326 = arith.select %eq3A_325, %broadcast_in_dim3A_116, %select_n3A_282 : vector<16xi1>, vector<16xi32>
      %eq3A_327 = arith.cmpi eq, %select_n3A_284, %max3A_322 : vector<16xi32>
      %select_n3A_328 = arith.select %eq3A_327, %broadcast_in_dim3A_116, %select_n3A_284 : vector<16xi1>, vector<16xi32>
      %eq3A_329 = arith.cmpi eq, %select_n3A_286, %max3A_322 : vector<16xi32>
      %select_n3A_330 = arith.select %eq3A_329, %broadcast_in_dim3A_116, %select_n3A_286 : vector<16xi1>, vector<16xi32>
      %eq3A_331 = arith.constant 4 : i32
      %eq3A_332 = vector.broadcast %eq3A_331 : i32 to vector<16xi32>
      %eq3A_333 = arith.cmpi eq, %iota3A, %eq3A_332 : vector<16xi32>
      %select_n3A_334 = arith.select %eq3A_333, %max3A_322, %select_n3A_290 : vector<16xi1>, vector<16xi32>
      %max3A_335 = arith.maxsi %select_n3A_324, %select_n3A_326 : vector<16xi32>
      %max3A_336 = arith.maxsi %select_n3A_328, %select_n3A_330 : vector<16xi32>
      %max3A_337 = arith.maxsi %max3A_335, %max3A_336 : vector<16xi32>
      %iota3A_338 = tpu.iota {dimensions = array<i32: 0>} : vector<16xi32>
      %xor3A_339 = arith.constant 1 : i32
      %xor3A_340 = vector.broadcast %xor3A_339 : i32 to vector<16xi32>
      %xor3A_341 = arith.xori %iota3A_338, %xor3A_340 : vector<16xi32>
      %broadcast_in_dim3A_342 = vector.shape_cast %xor3A_341 : vector<16xi32> to vector<16x1xi32>
      %gather3A_343 = vector.shape_cast %broadcast_in_dim3A_342 : vector<16x1xi32> to vector<16xi32>
      %gather3A_344 = tpu.dynamic_gather %max3A_337[%gather3A_343] in [0] : vector<16xi32>, vector<16xi32> -> vector<16xi32>
      %max3A_345 = arith.maxsi %max3A_337, %gather3A_344 : vector<16xi32>
      %xor3A_346 = arith.constant 2 : i32
      %xor3A_347 = vector.broadcast %xor3A_346 : i32 to vector<16xi32>
      %xor3A_348 = arith.xori %iota3A_338, %xor3A_347 : vector<16xi32>
      %broadcast_in_dim3A_349 = vector.shape_cast %xor3A_348 : vector<16xi32> to vector<16x1xi32>
      %gather3A_350 = vector.shape_cast %broadcast_in_dim3A_349 : vector<16x1xi32> to vector<16xi32>
      %gather3A_351 = tpu.dynamic_gather %max3A_345[%gather3A_350] in [0] : vector<16xi32>, vector<16xi32> -> vector<16xi32>
      %max3A_352 = arith.maxsi %max3A_345, %gather3A_351 : vector<16xi32>
      %xor3A_353 = arith.constant 4 : i32
      %xor3A_354 = vector.broadcast %xor3A_353 : i32 to vector<16xi32>
      %xor3A_355 = arith.xori %iota3A_338, %xor3A_354 : vector<16xi32>
      %broadcast_in_dim3A_356 = vector.shape_cast %xor3A_355 : vector<16xi32> to vector<16x1xi32>
      %gather3A_357 = vector.shape_cast %broadcast_in_dim3A_356 : vector<16x1xi32> to vector<16xi32>
      %gather3A_358 = tpu.dynamic_gather %max3A_352[%gather3A_357] in [0] : vector<16xi32>, vector<16xi32> -> vector<16xi32>
      %max3A_359 = arith.maxsi %max3A_352, %gather3A_358 : vector<16xi32>
      %xor3A_360 = arith.constant 8 : i32
      %xor3A_361 = vector.broadcast %xor3A_360 : i32 to vector<16xi32>
      %xor3A_362 = arith.xori %iota3A_338, %xor3A_361 : vector<16xi32>
      %broadcast_in_dim3A_363 = vector.shape_cast %xor3A_362 : vector<16xi32> to vector<16x1xi32>
      %gather3A_364 = vector.shape_cast %broadcast_in_dim3A_363 : vector<16x1xi32> to vector<16xi32>
      %gather3A_365 = tpu.dynamic_gather %max3A_359[%gather3A_364] in [0] : vector<16xi32>, vector<16xi32> -> vector<16xi32>
      %max3A_366 = arith.maxsi %max3A_359, %gather3A_365 : vector<16xi32>
      %eq3A_367 = arith.cmpi eq, %select_n3A_324, %max3A_366 : vector<16xi32>
      %select_n3A_368 = arith.select %eq3A_367, %broadcast_in_dim3A_116, %select_n3A_324 : vector<16xi1>, vector<16xi32>
      %eq3A_369 = arith.cmpi eq, %select_n3A_326, %max3A_366 : vector<16xi32>
      %select_n3A_370 = arith.select %eq3A_369, %broadcast_in_dim3A_116, %select_n3A_326 : vector<16xi1>, vector<16xi32>
      %eq3A_371 = arith.cmpi eq, %select_n3A_328, %max3A_366 : vector<16xi32>
      %select_n3A_372 = arith.select %eq3A_371, %broadcast_in_dim3A_116, %select_n3A_328 : vector<16xi1>, vector<16xi32>
      %eq3A_373 = arith.cmpi eq, %select_n3A_330, %max3A_366 : vector<16xi32>
      %select_n3A_374 = arith.select %eq3A_373, %broadcast_in_dim3A_116, %select_n3A_330 : vector<16xi1>, vector<16xi32>
      %eq3A_375 = arith.constant 5 : i32
      %eq3A_376 = vector.broadcast %eq3A_375 : i32 to vector<16xi32>
      %eq3A_377 = arith.cmpi eq, %iota3A, %eq3A_376 : vector<16xi32>
      %select_n3A_378 = arith.select %eq3A_377, %max3A_366, %select_n3A_334 : vector<16xi1>, vector<16xi32>
      %max3A_379 = arith.maxsi %select_n3A_368, %select_n3A_370 : vector<16xi32>
      %max3A_380 = arith.maxsi %select_n3A_372, %select_n3A_374 : vector<16xi32>
      %max3A_381 = arith.maxsi %max3A_379, %max3A_380 : vector<16xi32>
      %iota3A_382 = tpu.iota {dimensions = array<i32: 0>} : vector<16xi32>
      %xor3A_383 = arith.constant 1 : i32
      %xor3A_384 = vector.broadcast %xor3A_383 : i32 to vector<16xi32>
      %xor3A_385 = arith.xori %iota3A_382, %xor3A_384 : vector<16xi32>
      %broadcast_in_dim3A_386 = vector.shape_cast %xor3A_385 : vector<16xi32> to vector<16x1xi32>
      %gather3A_387 = vector.shape_cast %broadcast_in_dim3A_386 : vector<16x1xi32> to vector<16xi32>
      %gather3A_388 = tpu.dynamic_gather %max3A_381[%gather3A_387] in [0] : vector<16xi32>, vector<16xi32> -> vector<16xi32>
      %max3A_389 = arith.maxsi %max3A_381, %gather3A_388 : vector<16xi32>
      %xor3A_390 = arith.constant 2 : i32
      %xor3A_391 = vector.broadcast %xor3A_390 : i32 to vector<16xi32>
      %xor3A_392 = arith.xori %iota3A_382, %xor3A_391 : vector<16xi32>
      %broadcast_in_dim3A_393 = vector.shape_cast %xor3A_392 : vector<16xi32> to vector<16x1xi32>
      %gather3A_394 = vector.shape_cast %broadcast_in_dim3A_393 : vector<16x1xi32> to vector<16xi32>
      %gather3A_395 = tpu.dynamic_gather %max3A_389[%gather3A_394] in [0] : vector<16xi32>, vector<16xi32> -> vector<16xi32>
      %max3A_396 = arith.maxsi %max3A_389, %gather3A_395 : vector<16xi32>
      %xor3A_397 = arith.constant 4 : i32
      %xor3A_398 = vector.broadcast %xor3A_397 : i32 to vector<16xi32>
      %xor3A_399 = arith.xori %iota3A_382, %xor3A_398 : vector<16xi32>
      %broadcast_in_dim3A_400 = vector.shape_cast %xor3A_399 : vector<16xi32> to vector<16x1xi32>
      %gather3A_401 = vector.shape_cast %broadcast_in_dim3A_400 : vector<16x1xi32> to vector<16xi32>
      %gather3A_402 = tpu.dynamic_gather %max3A_396[%gather3A_401] in [0] : vector<16xi32>, vector<16xi32> -> vector<16xi32>
      %max3A_403 = arith.maxsi %max3A_396, %gather3A_402 : vector<16xi32>
      %xor3A_404 = arith.constant 8 : i32
      %xor3A_405 = vector.broadcast %xor3A_404 : i32 to vector<16xi32>
      %xor3A_406 = arith.xori %iota3A_382, %xor3A_405 : vector<16xi32>
      %broadcast_in_dim3A_407 = vector.shape_cast %xor3A_406 : vector<16xi32> to vector<16x1xi32>
      %gather3A_408 = vector.shape_cast %broadcast_in_dim3A_407 : vector<16x1xi32> to vector<16xi32>
      %gather3A_409 = tpu.dynamic_gather %max3A_403[%gather3A_408] in [0] : vector<16xi32>, vector<16xi32> -> vector<16xi32>
      %max3A_410 = arith.maxsi %max3A_403, %gather3A_409 : vector<16xi32>
      %eq3A_411 = arith.cmpi eq, %select_n3A_368, %max3A_410 : vector<16xi32>
      %select_n3A_412 = arith.select %eq3A_411, %broadcast_in_dim3A_116, %select_n3A_368 : vector<16xi1>, vector<16xi32>
      %eq3A_413 = arith.cmpi eq, %select_n3A_370, %max3A_410 : vector<16xi32>
      %select_n3A_414 = arith.select %eq3A_413, %broadcast_in_dim3A_116, %select_n3A_370 : vector<16xi1>, vector<16xi32>
      %eq3A_415 = arith.cmpi eq, %select_n3A_372, %max3A_410 : vector<16xi32>
      %select_n3A_416 = arith.select %eq3A_415, %broadcast_in_dim3A_116, %select_n3A_372 : vector<16xi1>, vector<16xi32>
      %eq3A_417 = arith.cmpi eq, %select_n3A_374, %max3A_410 : vector<16xi32>
      %select_n3A_418 = arith.select %eq3A_417, %broadcast_in_dim3A_116, %select_n3A_374 : vector<16xi1>, vector<16xi32>
      %eq3A_419 = arith.constant 6 : i32
      %eq3A_420 = vector.broadcast %eq3A_419 : i32 to vector<16xi32>
      %eq3A_421 = arith.cmpi eq, %iota3A, %eq3A_420 : vector<16xi32>
      %select_n3A_422 = arith.select %eq3A_421, %max3A_410, %select_n3A_378 : vector<16xi1>, vector<16xi32>
      %max3A_423 = arith.maxsi %select_n3A_412, %select_n3A_414 : vector<16xi32>
      %max3A_424 = arith.maxsi %select_n3A_416, %select_n3A_418 : vector<16xi32>
      %max3A_425 = arith.maxsi %max3A_423, %max3A_424 : vector<16xi32>
      %iota3A_426 = tpu.iota {dimensions = array<i32: 0>} : vector<16xi32>
      %xor3A_427 = arith.constant 1 : i32
      %xor3A_428 = vector.broadcast %xor3A_427 : i32 to vector<16xi32>
      %xor3A_429 = arith.xori %iota3A_426, %xor3A_428 : vector<16xi32>
      %broadcast_in_dim3A_430 = vector.shape_cast %xor3A_429 : vector<16xi32> to vector<16x1xi32>
      %gather3A_431 = vector.shape_cast %broadcast_in_dim3A_430 : vector<16x1xi32> to vector<16xi32>
      %gather3A_432 = tpu.dynamic_gather %max3A_425[%gather3A_431] in [0] : vector<16xi32>, vector<16xi32> -> vector<16xi32>
      %max3A_433 = arith.maxsi %max3A_425, %gather3A_432 : vector<16xi32>
      %xor3A_434 = arith.constant 2 : i32
      %xor3A_435 = vector.broadcast %xor3A_434 : i32 to vector<16xi32>
      %xor3A_436 = arith.xori %iota3A_426, %xor3A_435 : vector<16xi32>
      %broadcast_in_dim3A_437 = vector.shape_cast %xor3A_436 : vector<16xi32> to vector<16x1xi32>
      %gather3A_438 = vector.shape_cast %broadcast_in_dim3A_437 : vector<16x1xi32> to vector<16xi32>
      %gather3A_439 = tpu.dynamic_gather %max3A_433[%gather3A_438] in [0] : vector<16xi32>, vector<16xi32> -> vector<16xi32>
      %max3A_440 = arith.maxsi %max3A_433, %gather3A_439 : vector<16xi32>
      %xor3A_441 = arith.constant 4 : i32
      %xor3A_442 = vector.broadcast %xor3A_441 : i32 to vector<16xi32>
      %xor3A_443 = arith.xori %iota3A_426, %xor3A_442 : vector<16xi32>
      %broadcast_in_dim3A_444 = vector.shape_cast %xor3A_443 : vector<16xi32> to vector<16x1xi32>
      %gather3A_445 = vector.shape_cast %broadcast_in_dim3A_444 : vector<16x1xi32> to vector<16xi32>
      %gather3A_446 = tpu.dynamic_gather %max3A_440[%gather3A_445] in [0] : vector<16xi32>, vector<16xi32> -> vector<16xi32>
      %max3A_447 = arith.maxsi %max3A_440, %gather3A_446 : vector<16xi32>
      %xor3A_448 = arith.constant 8 : i32
      %xor3A_449 = vector.broadcast %xor3A_448 : i32 to vector<16xi32>
      %xor3A_450 = arith.xori %iota3A_426, %xor3A_449 : vector<16xi32>
      %broadcast_in_dim3A_451 = vector.shape_cast %xor3A_450 : vector<16xi32> to vector<16x1xi32>
      %gather3A_452 = vector.shape_cast %broadcast_in_dim3A_451 : vector<16x1xi32> to vector<16xi32>
      %gather3A_453 = tpu.dynamic_gather %max3A_447[%gather3A_452] in [0] : vector<16xi32>, vector<16xi32> -> vector<16xi32>
      %max3A_454 = arith.maxsi %max3A_447, %gather3A_453 : vector<16xi32>
      %eq3A_455 = arith.cmpi eq, %select_n3A_412, %max3A_454 : vector<16xi32>
      %select_n3A_456 = arith.select %eq3A_455, %broadcast_in_dim3A_116, %select_n3A_412 : vector<16xi1>, vector<16xi32>
      %eq3A_457 = arith.cmpi eq, %select_n3A_414, %max3A_454 : vector<16xi32>
      %select_n3A_458 = arith.select %eq3A_457, %broadcast_in_dim3A_116, %select_n3A_414 : vector<16xi1>, vector<16xi32>
      %eq3A_459 = arith.cmpi eq, %select_n3A_416, %max3A_454 : vector<16xi32>
      %select_n3A_460 = arith.select %eq3A_459, %broadcast_in_dim3A_116, %select_n3A_416 : vector<16xi1>, vector<16xi32>
      %eq3A_461 = arith.cmpi eq, %select_n3A_418, %max3A_454 : vector<16xi32>
      %select_n3A_462 = arith.select %eq3A_461, %broadcast_in_dim3A_116, %select_n3A_418 : vector<16xi1>, vector<16xi32>
      %eq3A_463 = arith.constant 7 : i32
      %eq3A_464 = vector.broadcast %eq3A_463 : i32 to vector<16xi32>
      %eq3A_465 = arith.cmpi eq, %iota3A, %eq3A_464 : vector<16xi32>
      %select_n3A_466 = arith.select %eq3A_465, %max3A_454, %select_n3A_422 : vector<16xi1>, vector<16xi32>
      %and3A_467 = arith.constant 63 : i32
      %and3A_468 = vector.broadcast %and3A_467 : i32 to vector<16xi32>
      %and3A_469 = arith.andi %select_n3A_466, %and3A_468 : vector<16xi32>
      %sub3A_470 = arith.constant 63 : i32
      %sub3A_471 = vector.broadcast %sub3A_470 : i32 to vector<16xi32>
      %sub3A_472 = arith.subi %sub3A_471, %and3A_469 : vector<16xi32>
      %and3A_473 = arith.constant -64 : i32
      %and3A_474 = vector.broadcast %and3A_473 : i32 to vector<16xi32>
      %and3A_475 = arith.andi %select_n3A_466, %and3A_474 : vector<16xi32>
      %ge3A_476 = arith.constant 0 : i32
      %ge3A_477 = vector.broadcast %ge3A_476 : i32 to vector<16xi32>
      %ge3A_478 = arith.cmpi sge, %and3A_475, %ge3A_477 : vector<16xi32>
      %sub3A_479 = arith.constant -2147483648 : i32
      %sub3A_480 = vector.broadcast %sub3A_479 : i32 to vector<16xi32>
      %sub3A_481 = arith.subi %sub3A_480, %and3A_475 : vector<16xi32>
      %select_n3A_482 = arith.select %ge3A_478, %and3A_475, %sub3A_481 : vector<16xi1>, vector<16xi32>
      %bitcast_convert_type3A_483 = tpu.bitcast %select_n3A_482 : vector<16xi32> -> vector<16xf32>
      %and3A_484 = arith.constant -64 : i32
      %and3A_485 = vector.broadcast %and3A_484 : i32 to vector<16xi32>
      %and3A_486 = arith.andi %max3A_147, %and3A_485 : vector<16xi32>
      %ge3A_487 = arith.constant 0 : i32
      %ge3A_488 = vector.broadcast %ge3A_487 : i32 to vector<16xi32>
      %ge3A_489 = arith.cmpi sge, %and3A_486, %ge3A_488 : vector<16xi32>
      %sub3A_490 = arith.constant -2147483648 : i32
      %sub3A_491 = vector.broadcast %sub3A_490 : i32 to vector<16xi32>
      %sub3A_492 = arith.subi %sub3A_491, %and3A_486 : vector<16xi32>
      %select_n3A_493 = arith.select %ge3A_489, %and3A_486, %sub3A_492 : vector<16xi1>, vector<16xi32>
      %bitcast_convert_type3A_494 = tpu.bitcast %select_n3A_493 : vector<16xi32> -> vector<16xf32>
      %sub3A_495 = arith.subf %bitcast_convert_type3A_483, %bitcast_convert_type3A_494 : vector<16xf32>
      %exp3A = math.exp %sub3A_495 : vector<16xf32>
      %lt3A = arith.constant 8 : i32
      %lt3A_496 = vector.broadcast %lt3A : i32 to vector<16xi32>
      %lt3A_497 = arith.cmpi slt, %iota3A, %lt3A_496 : vector<16xi32>
      %jit3A = arith.constant 0.000000e+00 : f32
      %broadcast_in_dim3A_498 = vector.broadcast %jit3A : f32 to vector<16xf32>
      %select_n3A_499 = arith.select %lt3A_497, %exp3A, %broadcast_in_dim3A_498 : vector<16xi1>, vector<16xf32>
      %iota3A_500 = tpu.iota {dimensions = array<i32: 0>} : vector<16xi32>
      %xor3A_501 = arith.constant 1 : i32
      %xor3A_502 = vector.broadcast %xor3A_501 : i32 to vector<16xi32>
      %xor3A_503 = arith.xori %iota3A_500, %xor3A_502 : vector<16xi32>
      %broadcast_in_dim3A_504 = vector.shape_cast %xor3A_503 : vector<16xi32> to vector<16x1xi32>
      %gather3A_505 = vector.shape_cast %broadcast_in_dim3A_504 : vector<16x1xi32> to vector<16xi32>
      %gather3A_506 = tpu.dynamic_gather %select_n3A_499[%gather3A_505] in [0] : vector<16xf32>, vector<16xi32> -> vector<16xf32>
      %add3A_507 = arith.addf %select_n3A_499, %gather3A_506 : vector<16xf32>
      %xor3A_508 = arith.constant 2 : i32
      %xor3A_509 = vector.broadcast %xor3A_508 : i32 to vector<16xi32>
      %xor3A_510 = arith.xori %iota3A_500, %xor3A_509 : vector<16xi32>
      %broadcast_in_dim3A_511 = vector.shape_cast %xor3A_510 : vector<16xi32> to vector<16x1xi32>
      %gather3A_512 = vector.shape_cast %broadcast_in_dim3A_511 : vector<16x1xi32> to vector<16xi32>
      %gather3A_513 = tpu.dynamic_gather %add3A_507[%gather3A_512] in [0] : vector<16xf32>, vector<16xi32> -> vector<16xf32>
      %add3A_514 = arith.addf %add3A_507, %gather3A_513 : vector<16xf32>
      %xor3A_515 = arith.constant 4 : i32
      %xor3A_516 = vector.broadcast %xor3A_515 : i32 to vector<16xi32>
      %xor3A_517 = arith.xori %iota3A_500, %xor3A_516 : vector<16xi32>
      %broadcast_in_dim3A_518 = vector.shape_cast %xor3A_517 : vector<16xi32> to vector<16x1xi32>
      %gather3A_519 = vector.shape_cast %broadcast_in_dim3A_518 : vector<16x1xi32> to vector<16xi32>
      %gather3A_520 = tpu.dynamic_gather %add3A_514[%gather3A_519] in [0] : vector<16xf32>, vector<16xi32> -> vector<16xf32>
      %add3A_521 = arith.addf %add3A_514, %gather3A_520 : vector<16xf32>
      %xor3A_522 = arith.constant 8 : i32
      %xor3A_523 = vector.broadcast %xor3A_522 : i32 to vector<16xi32>
      %xor3A_524 = arith.xori %iota3A_500, %xor3A_523 : vector<16xi32>
      %broadcast_in_dim3A_525 = vector.shape_cast %xor3A_524 : vector<16xi32> to vector<16x1xi32>
      %gather3A_526 = vector.shape_cast %broadcast_in_dim3A_525 : vector<16x1xi32> to vector<16xi32>
      %gather3A_527 = tpu.dynamic_gather %add3A_521[%gather3A_526] in [0] : vector<16xf32>, vector<16xi32> -> vector<16xf32>
      %add3A_528 = arith.addf %add3A_521, %gather3A_527 : vector<16xf32>
      %div3A = arith.divf %select_n3A_499, %add3A_528 : vector<16xf32>
      %mul3A_529 = arith.constant 16 : i32
      %mul3A_530 = arith.muli %add3A_18, %mul3A_529 : i32
      %swap3A = arith.index_cast %mul3A_530 : i32 to index
      %swap3A_531 = tpu.vector_load %arg6[%swap3A] {strides = array<i32>} : memref<16384xf32, #tpu.memory_space<vmem>>, vector<16xf32>,
      %swap3A_532 = vector.shape_cast %swap3A_531 : vector<16xf32> to vector<16xf32>
      %swap3A_533 = vector.shape_cast %div3A : vector<16xf32> to vector<16xf32>
      tpu.vector_store %arg6[%swap3A], %swap3A_533 {strides = array<i32>} : memref<16384xf32, #tpu.memory_space<vmem>>, vector<16xf32>,
      %mul3A_534 = arith.constant 16 : i32
      %mul3A_535 = arith.muli %add3A_18, %mul3A_534 : i32
      %swap3A_536 = arith.index_cast %mul3A_535 : i32 to index
      %swap3A_537 = tpu.vector_load %arg7[%swap3A_536] {strides = array<i32>} : memref<16384xi32, #tpu.memory_space<vmem>>, vector<16xi32>,
      %swap3A_538 = vector.shape_cast %swap3A_537 : vector<16xi32> to vector<16xi32>
      %swap3A_539 = vector.shape_cast %sub3A_472 : vector<16xi32> to vector<16xi32>
      tpu.vector_store %arg7[%swap3A_536], %swap3A_539 {strides = array<i32>} : memref<16384xi32, #tpu.memory_space<vmem>>, vector<16xi32>,
      %mul3A_540 = arith.constant 2 : i32
      %mul3A_541 = arith.muli %scan3A_14, %mul3A_540 : i32
      %add3A_542 = arith.constant 1 : i32
      %add3A_543 = arith.addi %mul3A_541, %add3A_542 : i32
      %iota3A_544 = tpu.iota {dimensions = array<i32: 0>} : vector<16xi32>
      %mul3A_545 = arith.constant 64 : i32
      %mul3A_546 = arith.muli %add3A_543, %mul3A_545 : i32
      %add3A_547 = arith.constant 0 : i32
      %add3A_548 = arith.addi %mul3A_546, %add3A_547 : i32
      %get3A_549 = arith.index_cast %add3A_548 : i32 to index
      %get3A_550 = tpu.vector_load %arg5[%get3A_549] {strides = array<i32>} : memref<65536xf32, #tpu.memory_space<vmem>>, vector<16xf32>,
      %get3A_551 = vector.shape_cast %get3A_550 : vector<16xf32> to vector<16xf32>
      %bitcast_convert_type3A_552 = tpu.bitcast %get3A_551 : vector<16xf32> -> vector<16xi32>
      %ge3A_553 = arith.constant 0 : i32
      %ge3A_554 = vector.broadcast %ge3A_553 : i32 to vector<16xi32>
      %ge3A_555 = arith.cmpi sge, %bitcast_convert_type3A_552, %ge3A_554 : vector<16xi32>
      %sub3A_556 = arith.constant -2147483648 : i32
      %sub3A_557 = vector.broadcast %sub3A_556 : i32 to vector<16xi32>
      %sub3A_558 = arith.subi %sub3A_557, %bitcast_convert_type3A_552 : vector<16xi32>
      %select_n3A_559 = arith.select %ge3A_555, %bitcast_convert_type3A_552, %sub3A_558 : vector<16xi1>, vector<16xi32>
      %iota3A_560 = tpu.iota {dimensions = array<i32: 0>} : vector<16xi32>
      %add3A_561 = arith.constant 0 : i32
      %add3A_562 = vector.broadcast %add3A_561 : i32 to vector<16xi32>
      %add3A_563 = arith.addi %iota3A_560, %add3A_562 : vector<16xi32>
      %and3A_564 = arith.constant -64 : i32
      %and3A_565 = vector.broadcast %and3A_564 : i32 to vector<16xi32>
      %and3A_566 = arith.andi %select_n3A_559, %and3A_565 : vector<16xi32>
      %sub3A_567 = arith.constant 63 : i32
      %sub3A_568 = vector.broadcast %sub3A_567 : i32 to vector<16xi32>
      %sub3A_569 = arith.subi %sub3A_568, %add3A_563 : vector<16xi32>
      %or3A_570 = arith.ori %and3A_566, %sub3A_569 : vector<16xi32>
      %mul3A_571 = arith.constant 64 : i32
      %mul3A_572 = arith.muli %add3A_543, %mul3A_571 : i32
      %add3A_573 = arith.constant 16 : i32
      %add3A_574 = arith.addi %mul3A_572, %add3A_573 : i32
      %get3A_575 = arith.index_cast %add3A_574 : i32 to index
      %get3A_576 = tpu.vector_load %arg5[%get3A_575] {strides = array<i32>} : memref<65536xf32, #tpu.memory_space<vmem>>, vector<16xf32>,
      %get3A_577 = vector.shape_cast %get3A_576 : vector<16xf32> to vector<16xf32>
      %bitcast_convert_type3A_578 = tpu.bitcast %get3A_577 : vector<16xf32> -> vector<16xi32>
      %ge3A_579 = arith.constant 0 : i32
      %ge3A_580 = vector.broadcast %ge3A_579 : i32 to vector<16xi32>
      %ge3A_581 = arith.cmpi sge, %bitcast_convert_type3A_578, %ge3A_580 : vector<16xi32>
      %sub3A_582 = arith.constant -2147483648 : i32
      %sub3A_583 = vector.broadcast %sub3A_582 : i32 to vector<16xi32>
      %sub3A_584 = arith.subi %sub3A_583, %bitcast_convert_type3A_578 : vector<16xi32>
      %select_n3A_585 = arith.select %ge3A_581, %bitcast_convert_type3A_578, %sub3A_584 : vector<16xi1>, vector<16xi32>
      %iota3A_586 = tpu.iota {dimensions = array<i32: 0>} : vector<16xi32>
      %add3A_587 = arith.constant 16 : i32
      %add3A_588 = vector.broadcast %add3A_587 : i32 to vector<16xi32>
      %add3A_589 = arith.addi %iota3A_586, %add3A_588 : vector<16xi32>
      %and3A_590 = arith.constant -64 : i32
      %and3A_591 = vector.broadcast %and3A_590 : i32 to vector<16xi32>
      %and3A_592 = arith.andi %select_n3A_585, %and3A_591 : vector<16xi32>
      %sub3A_593 = arith.constant 63 : i32
      %sub3A_594 = vector.broadcast %sub3A_593 : i32 to vector<16xi32>
      %sub3A_595 = arith.subi %sub3A_594, %add3A_589 : vector<16xi32>
      %or3A_596 = arith.ori %and3A_592, %sub3A_595 : vector<16xi32>
      %mul3A_597 = arith.constant 64 : i32
      %mul3A_598 = arith.muli %add3A_543, %mul3A_597 : i32
      %add3A_599 = arith.constant 32 : i32
      %add3A_600 = arith.addi %mul3A_598, %add3A_599 : i32
      %get3A_601 = arith.index_cast %add3A_600 : i32 to index
      %get3A_602 = tpu.vector_load %arg5[%get3A_601] {strides = array<i32>} : memref<65536xf32, #tpu.memory_space<vmem>>, vector<16xf32>,
      %get3A_603 = vector.shape_cast %get3A_602 : vector<16xf32> to vector<16xf32>
      %bitcast_convert_type3A_604 = tpu.bitcast %get3A_603 : vector<16xf32> -> vector<16xi32>
      %ge3A_605 = arith.constant 0 : i32
      %ge3A_606 = vector.broadcast %ge3A_605 : i32 to vector<16xi32>
      %ge3A_607 = arith.cmpi sge, %bitcast_convert_type3A_604, %ge3A_606 : vector<16xi32>
      %sub3A_608 = arith.constant -2147483648 : i32
      %sub3A_609 = vector.broadcast %sub3A_608 : i32 to vector<16xi32>
      %sub3A_610 = arith.subi %sub3A_609, %bitcast_convert_type3A_604 : vector<16xi32>
      %select_n3A_611 = arith.select %ge3A_607, %bitcast_convert_type3A_604, %sub3A_610 : vector<16xi1>, vector<16xi32>
      %iota3A_612 = tpu.iota {dimensions = array<i32: 0>} : vector<16xi32>
      %add3A_613 = arith.constant 32 : i32
      %add3A_614 = vector.broadcast %add3A_613 : i32 to vector<16xi32>
      %add3A_615 = arith.addi %iota3A_612, %add3A_614 : vector<16xi32>
      %and3A_616 = arith.constant -64 : i32
      %and3A_617 = vector.broadcast %and3A_616 : i32 to vector<16xi32>
      %and3A_618 = arith.andi %select_n3A_611, %and3A_617 : vector<16xi32>
      %sub3A_619 = arith.constant 63 : i32
      %sub3A_620 = vector.broadcast %sub3A_619 : i32 to vector<16xi32>
      %sub3A_621 = arith.subi %sub3A_620, %add3A_615 : vector<16xi32>
      %or3A_622 = arith.ori %and3A_618, %sub3A_621 : vector<16xi32>
      %mul3A_623 = arith.constant 64 : i32
      %mul3A_624 = arith.muli %add3A_543, %mul3A_623 : i32
      %add3A_625 = arith.constant 48 : i32
      %add3A_626 = arith.addi %mul3A_624, %add3A_625 : i32
      %get3A_627 = arith.index_cast %add3A_626 : i32 to index
      %get3A_628 = tpu.vector_load %arg5[%get3A_627] {strides = array<i32>} : memref<65536xf32, #tpu.memory_space<vmem>>, vector<16xf32>,
      %get3A_629 = vector.shape_cast %get3A_628 : vector<16xf32> to vector<16xf32>
      %bitcast_convert_type3A_630 = tpu.bitcast %get3A_629 : vector<16xf32> -> vector<16xi32>
      %ge3A_631 = arith.constant 0 : i32
      %ge3A_632 = vector.broadcast %ge3A_631 : i32 to vector<16xi32>
      %ge3A_633 = arith.cmpi sge, %bitcast_convert_type3A_630, %ge3A_632 : vector<16xi32>
      %sub3A_634 = arith.constant -2147483648 : i32
      %sub3A_635 = vector.broadcast %sub3A_634 : i32 to vector<16xi32>
      %sub3A_636 = arith.subi %sub3A_635, %bitcast_convert_type3A_630 : vector<16xi32>
      %select_n3A_637 = arith.select %ge3A_633, %bitcast_convert_type3A_630, %sub3A_636 : vector<16xi1>, vector<16xi32>
      %iota3A_638 = tpu.iota {dimensions = array<i32: 0>} : vector<16xi32>
      %add3A_639 = arith.constant 48 : i32
      %add3A_640 = vector.broadcast %add3A_639 : i32 to vector<16xi32>
      %add3A_641 = arith.addi %iota3A_638, %add3A_640 : vector<16xi32>
      %and3A_642 = arith.constant -64 : i32
      %and3A_643 = vector.broadcast %and3A_642 : i32 to vector<16xi32>
      %and3A_644 = arith.andi %select_n3A_637, %and3A_643 : vector<16xi32>
      %sub3A_645 = arith.constant 63 : i32
      %sub3A_646 = vector.broadcast %sub3A_645 : i32 to vector<16xi32>
      %sub3A_647 = arith.subi %sub3A_646, %add3A_641 : vector<16xi32>
      %or3A_648 = arith.ori %and3A_644, %sub3A_647 : vector<16xi32>
      %broadcast_in_dim3A_649 = arith.constant -2147483648 : i32
      %broadcast_in_dim3A_650 = vector.broadcast %broadcast_in_dim3A_649 : i32 to vector<16xi32>
      %broadcast_in_dim3A_651 = arith.constant 0 : i32
      %broadcast_in_dim3A_652 = vector.broadcast %broadcast_in_dim3A_651 : i32 to vector<16xi32>
      %max3A_653 = arith.maxsi %or3A_570, %or3A_596 : vector<16xi32>
      %max3A_654 = arith.maxsi %or3A_622, %or3A_648 : vector<16xi32>
      %max3A_655 = arith.maxsi %max3A_653, %max3A_654 : vector<16xi32>
      %iota3A_656 = tpu.iota {dimensions = array<i32: 0>} : vector<16xi32>
      %xor3A_657 = arith.constant 1 : i32
      %xor3A_658 = vector.broadcast %xor3A_657 : i32 to vector<16xi32>
      %xor3A_659 = arith.xori %iota3A_656, %xor3A_658 : vector<16xi32>
      %broadcast_in_dim3A_660 = vector.shape_cast %xor3A_659 : vector<16xi32> to vector<16x1xi32>
      %gather3A_661 = vector.shape_cast %broadcast_in_dim3A_660 : vector<16x1xi32> to vector<16xi32>
      %gather3A_662 = tpu.dynamic_gather %max3A_655[%gather3A_661] in [0] : vector<16xi32>, vector<16xi32> -> vector<16xi32>
      %max3A_663 = arith.maxsi %max3A_655, %gather3A_662 : vector<16xi32>
      %xor3A_664 = arith.constant 2 : i32
      %xor3A_665 = vector.broadcast %xor3A_664 : i32 to vector<16xi32>
      %xor3A_666 = arith.xori %iota3A_656, %xor3A_665 : vector<16xi32>
      %broadcast_in_dim3A_667 = vector.shape_cast %xor3A_666 : vector<16xi32> to vector<16x1xi32>
      %gather3A_668 = vector.shape_cast %broadcast_in_dim3A_667 : vector<16x1xi32> to vector<16xi32>
      %gather3A_669 = tpu.dynamic_gather %max3A_663[%gather3A_668] in [0] : vector<16xi32>, vector<16xi32> -> vector<16xi32>
      %max3A_670 = arith.maxsi %max3A_663, %gather3A_669 : vector<16xi32>
      %xor3A_671 = arith.constant 4 : i32
      %xor3A_672 = vector.broadcast %xor3A_671 : i32 to vector<16xi32>
      %xor3A_673 = arith.xori %iota3A_656, %xor3A_672 : vector<16xi32>
      %broadcast_in_dim3A_674 = vector.shape_cast %xor3A_673 : vector<16xi32> to vector<16x1xi32>
      %gather3A_675 = vector.shape_cast %broadcast_in_dim3A_674 : vector<16x1xi32> to vector<16xi32>
      %gather3A_676 = tpu.dynamic_gather %max3A_670[%gather3A_675] in [0] : vector<16xi32>, vector<16xi32> -> vector<16xi32>
      %max3A_677 = arith.maxsi %max3A_670, %gather3A_676 : vector<16xi32>
      %xor3A_678 = arith.constant 8 : i32
      %xor3A_679 = vector.broadcast %xor3A_678 : i32 to vector<16xi32>
      %xor3A_680 = arith.xori %iota3A_656, %xor3A_679 : vector<16xi32>
      %broadcast_in_dim3A_681 = vector.shape_cast %xor3A_680 : vector<16xi32> to vector<16x1xi32>
      %gather3A_682 = vector.shape_cast %broadcast_in_dim3A_681 : vector<16x1xi32> to vector<16xi32>
      %gather3A_683 = tpu.dynamic_gather %max3A_677[%gather3A_682] in [0] : vector<16xi32>, vector<16xi32> -> vector<16xi32>
      %max3A_684 = arith.maxsi %max3A_677, %gather3A_683 : vector<16xi32>
      %eq3A_685 = arith.cmpi eq, %or3A_570, %max3A_684 : vector<16xi32>
      %select_n3A_686 = arith.select %eq3A_685, %broadcast_in_dim3A_650, %or3A_570 : vector<16xi1>, vector<16xi32>
      %eq3A_687 = arith.cmpi eq, %or3A_596, %max3A_684 : vector<16xi32>
      %select_n3A_688 = arith.select %eq3A_687, %broadcast_in_dim3A_650, %or3A_596 : vector<16xi1>, vector<16xi32>
      %eq3A_689 = arith.cmpi eq, %or3A_622, %max3A_684 : vector<16xi32>
      %select_n3A_690 = arith.select %eq3A_689, %broadcast_in_dim3A_650, %or3A_622 : vector<16xi1>, vector<16xi32>
      %eq3A_691 = arith.cmpi eq, %or3A_648, %max3A_684 : vector<16xi32>
      %select_n3A_692 = arith.select %eq3A_691, %broadcast_in_dim3A_650, %or3A_648 : vector<16xi1>, vector<16xi32>
      %eq3A_693 = arith.constant 0 : i32
      %eq3A_694 = vector.broadcast %eq3A_693 : i32 to vector<16xi32>
      %eq3A_695 = arith.cmpi eq, %iota3A_544, %eq3A_694 : vector<16xi32>
      %select_n3A_696 = arith.select %eq3A_695, %max3A_684, %broadcast_in_dim3A_652 : vector<16xi1>, vector<16xi32>
      %max3A_697 = arith.maxsi %select_n3A_686, %select_n3A_688 : vector<16xi32>
      %max3A_698 = arith.maxsi %select_n3A_690, %select_n3A_692 : vector<16xi32>
      %max3A_699 = arith.maxsi %max3A_697, %max3A_698 : vector<16xi32>
      %iota3A_700 = tpu.iota {dimensions = array<i32: 0>} : vector<16xi32>
      %xor3A_701 = arith.constant 1 : i32
      %xor3A_702 = vector.broadcast %xor3A_701 : i32 to vector<16xi32>
      %xor3A_703 = arith.xori %iota3A_700, %xor3A_702 : vector<16xi32>
      %broadcast_in_dim3A_704 = vector.shape_cast %xor3A_703 : vector<16xi32> to vector<16x1xi32>
      %gather3A_705 = vector.shape_cast %broadcast_in_dim3A_704 : vector<16x1xi32> to vector<16xi32>
      %gather3A_706 = tpu.dynamic_gather %max3A_699[%gather3A_705] in [0] : vector<16xi32>, vector<16xi32> -> vector<16xi32>
      %max3A_707 = arith.maxsi %max3A_699, %gather3A_706 : vector<16xi32>
      %xor3A_708 = arith.constant 2 : i32
      %xor3A_709 = vector.broadcast %xor3A_708 : i32 to vector<16xi32>
      %xor3A_710 = arith.xori %iota3A_700, %xor3A_709 : vector<16xi32>
      %broadcast_in_dim3A_711 = vector.shape_cast %xor3A_710 : vector<16xi32> to vector<16x1xi32>
      %gather3A_712 = vector.shape_cast %broadcast_in_dim3A_711 : vector<16x1xi32> to vector<16xi32>
      %gather3A_713 = tpu.dynamic_gather %max3A_707[%gather3A_712] in [0] : vector<16xi32>, vector<16xi32> -> vector<16xi32>
      %max3A_714 = arith.maxsi %max3A_707, %gather3A_713 : vector<16xi32>
      %xor3A_715 = arith.constant 4 : i32
      %xor3A_716 = vector.broadcast %xor3A_715 : i32 to vector<16xi32>
      %xor3A_717 = arith.xori %iota3A_700, %xor3A_716 : vector<16xi32>
      %broadcast_in_dim3A_718 = vector.shape_cast %xor3A_717 : vector<16xi32> to vector<16x1xi32>
      %gather3A_719 = vector.shape_cast %broadcast_in_dim3A_718 : vector<16x1xi32> to vector<16xi32>
      %gather3A_720 = tpu.dynamic_gather %max3A_714[%gather3A_719] in [0] : vector<16xi32>, vector<16xi32> -> vector<16xi32>
      %max3A_721 = arith.maxsi %max3A_714, %gather3A_720 : vector<16xi32>
      %xor3A_722 = arith.constant 8 : i32
      %xor3A_723 = vector.broadcast %xor3A_722 : i32 to vector<16xi32>
      %xor3A_724 = arith.xori %iota3A_700, %xor3A_723 : vector<16xi32>
      %broadcast_in_dim3A_725 = vector.shape_cast %xor3A_724 : vector<16xi32> to vector<16x1xi32>
      %gather3A_726 = vector.shape_cast %broadcast_in_dim3A_725 : vector<16x1xi32> to vector<16xi32>
      %gather3A_727 = tpu.dynamic_gather %max3A_721[%gather3A_726] in [0] : vector<16xi32>, vector<16xi32> -> vector<16xi32>
      %max3A_728 = arith.maxsi %max3A_721, %gather3A_727 : vector<16xi32>
      %eq3A_729 = arith.cmpi eq, %select_n3A_686, %max3A_728 : vector<16xi32>
      %select_n3A_730 = arith.select %eq3A_729, %broadcast_in_dim3A_650, %select_n3A_686 : vector<16xi1>, vector<16xi32>
      %eq3A_731 = arith.cmpi eq, %select_n3A_688, %max3A_728 : vector<16xi32>
      %select_n3A_732 = arith.select %eq3A_731, %broadcast_in_dim3A_650, %select_n3A_688 : vector<16xi1>, vector<16xi32>
      %eq3A_733 = arith.cmpi eq, %select_n3A_690, %max3A_728 : vector<16xi32>
      %select_n3A_734 = arith.select %eq3A_733, %broadcast_in_dim3A_650, %select_n3A_690 : vector<16xi1>, vector<16xi32>
      %eq3A_735 = arith.cmpi eq, %select_n3A_692, %max3A_728 : vector<16xi32>
      %select_n3A_736 = arith.select %eq3A_735, %broadcast_in_dim3A_650, %select_n3A_692 : vector<16xi1>, vector<16xi32>
      %eq3A_737 = arith.constant 1 : i32
      %eq3A_738 = vector.broadcast %eq3A_737 : i32 to vector<16xi32>
      %eq3A_739 = arith.cmpi eq, %iota3A_544, %eq3A_738 : vector<16xi32>
      %select_n3A_740 = arith.select %eq3A_739, %max3A_728, %select_n3A_696 : vector<16xi1>, vector<16xi32>
      %max3A_741 = arith.maxsi %select_n3A_730, %select_n3A_732 : vector<16xi32>
      %max3A_742 = arith.maxsi %select_n3A_734, %select_n3A_736 : vector<16xi32>
      %max3A_743 = arith.maxsi %max3A_741, %max3A_742 : vector<16xi32>
      %iota3A_744 = tpu.iota {dimensions = array<i32: 0>} : vector<16xi32>
      %xor3A_745 = arith.constant 1 : i32
      %xor3A_746 = vector.broadcast %xor3A_745 : i32 to vector<16xi32>
      %xor3A_747 = arith.xori %iota3A_744, %xor3A_746 : vector<16xi32>
      %broadcast_in_dim3A_748 = vector.shape_cast %xor3A_747 : vector<16xi32> to vector<16x1xi32>
      %gather3A_749 = vector.shape_cast %broadcast_in_dim3A_748 : vector<16x1xi32> to vector<16xi32>
      %gather3A_750 = tpu.dynamic_gather %max3A_743[%gather3A_749] in [0] : vector<16xi32>, vector<16xi32> -> vector<16xi32>
      %max3A_751 = arith.maxsi %max3A_743, %gather3A_750 : vector<16xi32>
      %xor3A_752 = arith.constant 2 : i32
      %xor3A_753 = vector.broadcast %xor3A_752 : i32 to vector<16xi32>
      %xor3A_754 = arith.xori %iota3A_744, %xor3A_753 : vector<16xi32>
      %broadcast_in_dim3A_755 = vector.shape_cast %xor3A_754 : vector<16xi32> to vector<16x1xi32>
      %gather3A_756 = vector.shape_cast %broadcast_in_dim3A_755 : vector<16x1xi32> to vector<16xi32>
      %gather3A_757 = tpu.dynamic_gather %max3A_751[%gather3A_756] in [0] : vector<16xi32>, vector<16xi32> -> vector<16xi32>
      %max3A_758 = arith.maxsi %max3A_751, %gather3A_757 : vector<16xi32>
      %xor3A_759 = arith.constant 4 : i32
      %xor3A_760 = vector.broadcast %xor3A_759 : i32 to vector<16xi32>
      %xor3A_761 = arith.xori %iota3A_744, %xor3A_760 : vector<16xi32>
      %broadcast_in_dim3A_762 = vector.shape_cast %xor3A_761 : vector<16xi32> to vector<16x1xi32>
      %gather3A_763 = vector.shape_cast %broadcast_in_dim3A_762 : vector<16x1xi32> to vector<16xi32>
      %gather3A_764 = tpu.dynamic_gather %max3A_758[%gather3A_763] in [0] : vector<16xi32>, vector<16xi32> -> vector<16xi32>
      %max3A_765 = arith.maxsi %max3A_758, %gather3A_764 : vector<16xi32>
      %xor3A_766 = arith.constant 8 : i32
      %xor3A_767 = vector.broadcast %xor3A_766 : i32 to vector<16xi32>
      %xor3A_768 = arith.xori %iota3A_744, %xor3A_767 : vector<16xi32>
      %broadcast_in_dim3A_769 = vector.shape_cast %xor3A_768 : vector<16xi32> to vector<16x1xi32>
      %gather3A_770 = vector.shape_cast %broadcast_in_dim3A_769 : vector<16x1xi32> to vector<16xi32>
      %gather3A_771 = tpu.dynamic_gather %max3A_765[%gather3A_770] in [0] : vector<16xi32>, vector<16xi32> -> vector<16xi32>
      %max3A_772 = arith.maxsi %max3A_765, %gather3A_771 : vector<16xi32>
      %eq3A_773 = arith.cmpi eq, %select_n3A_730, %max3A_772 : vector<16xi32>
      %select_n3A_774 = arith.select %eq3A_773, %broadcast_in_dim3A_650, %select_n3A_730 : vector<16xi1>, vector<16xi32>
      %eq3A_775 = arith.cmpi eq, %select_n3A_732, %max3A_772 : vector<16xi32>
      %select_n3A_776 = arith.select %eq3A_775, %broadcast_in_dim3A_650, %select_n3A_732 : vector<16xi1>, vector<16xi32>
      %eq3A_777 = arith.cmpi eq, %select_n3A_734, %max3A_772 : vector<16xi32>
      %select_n3A_778 = arith.select %eq3A_777, %broadcast_in_dim3A_650, %select_n3A_734 : vector<16xi1>, vector<16xi32>
      %eq3A_779 = arith.cmpi eq, %select_n3A_736, %max3A_772 : vector<16xi32>
      %select_n3A_780 = arith.select %eq3A_779, %broadcast_in_dim3A_650, %select_n3A_736 : vector<16xi1>, vector<16xi32>
      %eq3A_781 = arith.constant 2 : i32
      %eq3A_782 = vector.broadcast %eq3A_781 : i32 to vector<16xi32>
      %eq3A_783 = arith.cmpi eq, %iota3A_544, %eq3A_782 : vector<16xi32>
      %select_n3A_784 = arith.select %eq3A_783, %max3A_772, %select_n3A_740 : vector<16xi1>, vector<16xi32>
      %max3A_785 = arith.maxsi %select_n3A_774, %select_n3A_776 : vector<16xi32>
      %max3A_786 = arith.maxsi %select_n3A_778, %select_n3A_780 : vector<16xi32>
      %max3A_787 = arith.maxsi %max3A_785, %max3A_786 : vector<16xi32>
      %iota3A_788 = tpu.iota {dimensions = array<i32: 0>} : vector<16xi32>
      %xor3A_789 = arith.constant 1 : i32
      %xor3A_790 = vector.broadcast %xor3A_789 : i32 to vector<16xi32>
      %xor3A_791 = arith.xori %iota3A_788, %xor3A_790 : vector<16xi32>
      %broadcast_in_dim3A_792 = vector.shape_cast %xor3A_791 : vector<16xi32> to vector<16x1xi32>
      %gather3A_793 = vector.shape_cast %broadcast_in_dim3A_792 : vector<16x1xi32> to vector<16xi32>
      %gather3A_794 = tpu.dynamic_gather %max3A_787[%gather3A_793] in [0] : vector<16xi32>, vector<16xi32> -> vector<16xi32>
      %max3A_795 = arith.maxsi %max3A_787, %gather3A_794 : vector<16xi32>
      %xor3A_796 = arith.constant 2 : i32
      %xor3A_797 = vector.broadcast %xor3A_796 : i32 to vector<16xi32>
      %xor3A_798 = arith.xori %iota3A_788, %xor3A_797 : vector<16xi32>
      %broadcast_in_dim3A_799 = vector.shape_cast %xor3A_798 : vector<16xi32> to vector<16x1xi32>
      %gather3A_800 = vector.shape_cast %broadcast_in_dim3A_799 : vector<16x1xi32> to vector<16xi32>
      %gather3A_801 = tpu.dynamic_gather %max3A_795[%gather3A_800] in [0] : vector<16xi32>, vector<16xi32> -> vector<16xi32>
      %max3A_802 = arith.maxsi %max3A_795, %gather3A_801 : vector<16xi32>
      %xor3A_803 = arith.constant 4 : i32
      %xor3A_804 = vector.broadcast %xor3A_803 : i32 to vector<16xi32>
      %xor3A_805 = arith.xori %iota3A_788, %xor3A_804 : vector<16xi32>
      %broadcast_in_dim3A_806 = vector.shape_cast %xor3A_805 : vector<16xi32> to vector<16x1xi32>
      %gather3A_807 = vector.shape_cast %broadcast_in_dim3A_806 : vector<16x1xi32> to vector<16xi32>
      %gather3A_808 = tpu.dynamic_gather %max3A_802[%gather3A_807] in [0] : vector<16xi32>, vector<16xi32> -> vector<16xi32>
      %max3A_809 = arith.maxsi %max3A_802, %gather3A_808 : vector<16xi32>
      %xor3A_810 = arith.constant 8 : i32
      %xor3A_811 = vector.broadcast %xor3A_810 : i32 to vector<16xi32>
      %xor3A_812 = arith.xori %iota3A_788, %xor3A_811 : vector<16xi32>
      %broadcast_in_dim3A_813 = vector.shape_cast %xor3A_812 : vector<16xi32> to vector<16x1xi32>
      %gather3A_814 = vector.shape_cast %broadcast_in_dim3A_813 : vector<16x1xi32> to vector<16xi32>
      %gather3A_815 = tpu.dynamic_gather %max3A_809[%gather3A_814] in [0] : vector<16xi32>, vector<16xi32> -> vector<16xi32>
      %max3A_816 = arith.maxsi %max3A_809, %gather3A_815 : vector<16xi32>
      %eq3A_817 = arith.cmpi eq, %select_n3A_774, %max3A_816 : vector<16xi32>
      %select_n3A_818 = arith.select %eq3A_817, %broadcast_in_dim3A_650, %select_n3A_774 : vector<16xi1>, vector<16xi32>
      %eq3A_819 = arith.cmpi eq, %select_n3A_776, %max3A_816 : vector<16xi32>
      %select_n3A_820 = arith.select %eq3A_819, %broadcast_in_dim3A_650, %select_n3A_776 : vector<16xi1>, vector<16xi32>
      %eq3A_821 = arith.cmpi eq, %select_n3A_778, %max3A_816 : vector<16xi32>
      %select_n3A_822 = arith.select %eq3A_821, %broadcast_in_dim3A_650, %select_n3A_778 : vector<16xi1>, vector<16xi32>
      %eq3A_823 = arith.cmpi eq, %select_n3A_780, %max3A_816 : vector<16xi32>
      %select_n3A_824 = arith.select %eq3A_823, %broadcast_in_dim3A_650, %select_n3A_780 : vector<16xi1>, vector<16xi32>
      %eq3A_825 = arith.constant 3 : i32
      %eq3A_826 = vector.broadcast %eq3A_825 : i32 to vector<16xi32>
      %eq3A_827 = arith.cmpi eq, %iota3A_544, %eq3A_826 : vector<16xi32>
      %select_n3A_828 = arith.select %eq3A_827, %max3A_816, %select_n3A_784 : vector<16xi1>, vector<16xi32>
      %max3A_829 = arith.maxsi %select_n3A_818, %select_n3A_820 : vector<16xi32>
      %max3A_830 = arith.maxsi %select_n3A_822, %select_n3A_824 : vector<16xi32>
      %max3A_831 = arith.maxsi %max3A_829, %max3A_830 : vector<16xi32>
      %iota3A_832 = tpu.iota {dimensions = array<i32: 0>} : vector<16xi32>
      %xor3A_833 = arith.constant 1 : i32
      %xor3A_834 = vector.broadcast %xor3A_833 : i32 to vector<16xi32>
      %xor3A_835 = arith.xori %iota3A_832, %xor3A_834 : vector<16xi32>
      %broadcast_in_dim3A_836 = vector.shape_cast %xor3A_835 : vector<16xi32> to vector<16x1xi32>
      %gather3A_837 = vector.shape_cast %broadcast_in_dim3A_836 : vector<16x1xi32> to vector<16xi32>
      %gather3A_838 = tpu.dynamic_gather %max3A_831[%gather3A_837] in [0] : vector<16xi32>, vector<16xi32> -> vector<16xi32>
      %max3A_839 = arith.maxsi %max3A_831, %gather3A_838 : vector<16xi32>
      %xor3A_840 = arith.constant 2 : i32
      %xor3A_841 = vector.broadcast %xor3A_840 : i32 to vector<16xi32>
      %xor3A_842 = arith.xori %iota3A_832, %xor3A_841 : vector<16xi32>
      %broadcast_in_dim3A_843 = vector.shape_cast %xor3A_842 : vector<16xi32> to vector<16x1xi32>
      %gather3A_844 = vector.shape_cast %broadcast_in_dim3A_843 : vector<16x1xi32> to vector<16xi32>
      %gather3A_845 = tpu.dynamic_gather %max3A_839[%gather3A_844] in [0] : vector<16xi32>, vector<16xi32> -> vector<16xi32>
      %max3A_846 = arith.maxsi %max3A_839, %gather3A_845 : vector<16xi32>
      %xor3A_847 = arith.constant 4 : i32
      %xor3A_848 = vector.broadcast %xor3A_847 : i32 to vector<16xi32>
      %xor3A_849 = arith.xori %iota3A_832, %xor3A_848 : vector<16xi32>
      %broadcast_in_dim3A_850 = vector.shape_cast %xor3A_849 : vector<16xi32> to vector<16x1xi32>
      %gather3A_851 = vector.shape_cast %broadcast_in_dim3A_850 : vector<16x1xi32> to vector<16xi32>
      %gather3A_852 = tpu.dynamic_gather %max3A_846[%gather3A_851] in [0] : vector<16xi32>, vector<16xi32> -> vector<16xi32>
      %max3A_853 = arith.maxsi %max3A_846, %gather3A_852 : vector<16xi32>
      %xor3A_854 = arith.constant 8 : i32
      %xor3A_855 = vector.broadcast %xor3A_854 : i32 to vector<16xi32>
      %xor3A_856 = arith.xori %iota3A_832, %xor3A_855 : vector<16xi32>
      %broadcast_in_dim3A_857 = vector.shape_cast %xor3A_856 : vector<16xi32> to vector<16x1xi32>
      %gather3A_858 = vector.shape_cast %broadcast_in_dim3A_857 : vector<16x1xi32> to vector<16xi32>
      %gather3A_859 = tpu.dynamic_gather %max3A_853[%gather3A_858] in [0] : vector<16xi32>, vector<16xi32> -> vector<16xi32>
      %max3A_860 = arith.maxsi %max3A_853, %gather3A_859 : vector<16xi32>
      %eq3A_861 = arith.cmpi eq, %select_n3A_818, %max3A_860 : vector<16xi32>
      %select_n3A_862 = arith.select %eq3A_861, %broadcast_in_dim3A_650, %select_n3A_818 : vector<16xi1>, vector<16xi32>
      %eq3A_863 = arith.cmpi eq, %select_n3A_820, %max3A_860 : vector<16xi32>
      %select_n3A_864 = arith.select %eq3A_863, %broadcast_in_dim3A_650, %select_n3A_820 : vector<16xi1>, vector<16xi32>
      %eq3A_865 = arith.cmpi eq, %select_n3A_822, %max3A_860 : vector<16xi32>
      %select_n3A_866 = arith.select %eq3A_865, %broadcast_in_dim3A_650, %select_n3A_822 : vector<16xi1>, vector<16xi32>
      %eq3A_867 = arith.cmpi eq, %select_n3A_824, %max3A_860 : vector<16xi32>
      %select_n3A_868 = arith.select %eq3A_867, %broadcast_in_dim3A_650, %select_n3A_824 : vector<16xi1>, vector<16xi32>
      %eq3A_869 = arith.constant 4 : i32
      %eq3A_870 = vector.broadcast %eq3A_869 : i32 to vector<16xi32>
      %eq3A_871 = arith.cmpi eq, %iota3A_544, %eq3A_870 : vector<16xi32>
      %select_n3A_872 = arith.select %eq3A_871, %max3A_860, %select_n3A_828 : vector<16xi1>, vector<16xi32>
      %max3A_873 = arith.maxsi %select_n3A_862, %select_n3A_864 : vector<16xi32>
      %max3A_874 = arith.maxsi %select_n3A_866, %select_n3A_868 : vector<16xi32>
      %max3A_875 = arith.maxsi %max3A_873, %max3A_874 : vector<16xi32>
      %iota3A_876 = tpu.iota {dimensions = array<i32: 0>} : vector<16xi32>
      %xor3A_877 = arith.constant 1 : i32
      %xor3A_878 = vector.broadcast %xor3A_877 : i32 to vector<16xi32>
      %xor3A_879 = arith.xori %iota3A_876, %xor3A_878 : vector<16xi32>
      %broadcast_in_dim3A_880 = vector.shape_cast %xor3A_879 : vector<16xi32> to vector<16x1xi32>
      %gather3A_881 = vector.shape_cast %broadcast_in_dim3A_880 : vector<16x1xi32> to vector<16xi32>
      %gather3A_882 = tpu.dynamic_gather %max3A_875[%gather3A_881] in [0] : vector<16xi32>, vector<16xi32> -> vector<16xi32>
      %max3A_883 = arith.maxsi %max3A_875, %gather3A_882 : vector<16xi32>
      %xor3A_884 = arith.constant 2 : i32
      %xor3A_885 = vector.broadcast %xor3A_884 : i32 to vector<16xi32>
      %xor3A_886 = arith.xori %iota3A_876, %xor3A_885 : vector<16xi32>
      %broadcast_in_dim3A_887 = vector.shape_cast %xor3A_886 : vector<16xi32> to vector<16x1xi32>
      %gather3A_888 = vector.shape_cast %broadcast_in_dim3A_887 : vector<16x1xi32> to vector<16xi32>
      %gather3A_889 = tpu.dynamic_gather %max3A_883[%gather3A_888] in [0] : vector<16xi32>, vector<16xi32> -> vector<16xi32>
      %max3A_890 = arith.maxsi %max3A_883, %gather3A_889 : vector<16xi32>
      %xor3A_891 = arith.constant 4 : i32
      %xor3A_892 = vector.broadcast %xor3A_891 : i32 to vector<16xi32>
      %xor3A_893 = arith.xori %iota3A_876, %xor3A_892 : vector<16xi32>
      %broadcast_in_dim3A_894 = vector.shape_cast %xor3A_893 : vector<16xi32> to vector<16x1xi32>
      %gather3A_895 = vector.shape_cast %broadcast_in_dim3A_894 : vector<16x1xi32> to vector<16xi32>
      %gather3A_896 = tpu.dynamic_gather %max3A_890[%gather3A_895] in [0] : vector<16xi32>, vector<16xi32> -> vector<16xi32>
      %max3A_897 = arith.maxsi %max3A_890, %gather3A_896 : vector<16xi32>
      %xor3A_898 = arith.constant 8 : i32
      %xor3A_899 = vector.broadcast %xor3A_898 : i32 to vector<16xi32>
      %xor3A_900 = arith.xori %iota3A_876, %xor3A_899 : vector<16xi32>
      %broadcast_in_dim3A_901 = vector.shape_cast %xor3A_900 : vector<16xi32> to vector<16x1xi32>
      %gather3A_902 = vector.shape_cast %broadcast_in_dim3A_901 : vector<16x1xi32> to vector<16xi32>
      %gather3A_903 = tpu.dynamic_gather %max3A_897[%gather3A_902] in [0] : vector<16xi32>, vector<16xi32> -> vector<16xi32>
      %max3A_904 = arith.maxsi %max3A_897, %gather3A_903 : vector<16xi32>
      %eq3A_905 = arith.cmpi eq, %select_n3A_862, %max3A_904 : vector<16xi32>
      %select_n3A_906 = arith.select %eq3A_905, %broadcast_in_dim3A_650, %select_n3A_862 : vector<16xi1>, vector<16xi32>
      %eq3A_907 = arith.cmpi eq, %select_n3A_864, %max3A_904 : vector<16xi32>
      %select_n3A_908 = arith.select %eq3A_907, %broadcast_in_dim3A_650, %select_n3A_864 : vector<16xi1>, vector<16xi32>
      %eq3A_909 = arith.cmpi eq, %select_n3A_866, %max3A_904 : vector<16xi32>
      %select_n3A_910 = arith.select %eq3A_909, %broadcast_in_dim3A_650, %select_n3A_866 : vector<16xi1>, vector<16xi32>
      %eq3A_911 = arith.cmpi eq, %select_n3A_868, %max3A_904 : vector<16xi32>
      %select_n3A_912 = arith.select %eq3A_911, %broadcast_in_dim3A_650, %select_n3A_868 : vector<16xi1>, vector<16xi32>
      %eq3A_913 = arith.constant 5 : i32
      %eq3A_914 = vector.broadcast %eq3A_913 : i32 to vector<16xi32>
      %eq3A_915 = arith.cmpi eq, %iota3A_544, %eq3A_914 : vector<16xi32>
      %select_n3A_916 = arith.select %eq3A_915, %max3A_904, %select_n3A_872 : vector<16xi1>, vector<16xi32>
      %max3A_917 = arith.maxsi %select_n3A_906, %select_n3A_908 : vector<16xi32>
      %max3A_918 = arith.maxsi %select_n3A_910, %select_n3A_912 : vector<16xi32>
      %max3A_919 = arith.maxsi %max3A_917, %max3A_918 : vector<16xi32>
      %iota3A_920 = tpu.iota {dimensions = array<i32: 0>} : vector<16xi32>
      %xor3A_921 = arith.constant 1 : i32
      %xor3A_922 = vector.broadcast %xor3A_921 : i32 to vector<16xi32>
      %xor3A_923 = arith.xori %iota3A_920, %xor3A_922 : vector<16xi32>
      %broadcast_in_dim3A_924 = vector.shape_cast %xor3A_923 : vector<16xi32> to vector<16x1xi32>
      %gather3A_925 = vector.shape_cast %broadcast_in_dim3A_924 : vector<16x1xi32> to vector<16xi32>
      %gather3A_926 = tpu.dynamic_gather %max3A_919[%gather3A_925] in [0] : vector<16xi32>, vector<16xi32> -> vector<16xi32>
      %max3A_927 = arith.maxsi %max3A_919, %gather3A_926 : vector<16xi32>
      %xor3A_928 = arith.constant 2 : i32
      %xor3A_929 = vector.broadcast %xor3A_928 : i32 to vector<16xi32>
      %xor3A_930 = arith.xori %iota3A_920, %xor3A_929 : vector<16xi32>
      %broadcast_in_dim3A_931 = vector.shape_cast %xor3A_930 : vector<16xi32> to vector<16x1xi32>
      %gather3A_932 = vector.shape_cast %broadcast_in_dim3A_931 : vector<16x1xi32> to vector<16xi32>
      %gather3A_933 = tpu.dynamic_gather %max3A_927[%gather3A_932] in [0] : vector<16xi32>, vector<16xi32> -> vector<16xi32>
      %max3A_934 = arith.maxsi %max3A_927, %gather3A_933 : vector<16xi32>
      %xor3A_935 = arith.constant 4 : i32
      %xor3A_936 = vector.broadcast %xor3A_935 : i32 to vector<16xi32>
      %xor3A_937 = arith.xori %iota3A_920, %xor3A_936 : vector<16xi32>
      %broadcast_in_dim3A_938 = vector.shape_cast %xor3A_937 : vector<16xi32> to vector<16x1xi32>
      %gather3A_939 = vector.shape_cast %broadcast_in_dim3A_938 : vector<16x1xi32> to vector<16xi32>
      %gather3A_940 = tpu.dynamic_gather %max3A_934[%gather3A_939] in [0] : vector<16xi32>, vector<16xi32> -> vector<16xi32>
      %max3A_941 = arith.maxsi %max3A_934, %gather3A_940 : vector<16xi32>
      %xor3A_942 = arith.constant 8 : i32
      %xor3A_943 = vector.broadcast %xor3A_942 : i32 to vector<16xi32>
      %xor3A_944 = arith.xori %iota3A_920, %xor3A_943 : vector<16xi32>
      %broadcast_in_dim3A_945 = vector.shape_cast %xor3A_944 : vector<16xi32> to vector<16x1xi32>
      %gather3A_946 = vector.shape_cast %broadcast_in_dim3A_945 : vector<16x1xi32> to vector<16xi32>
      %gather3A_947 = tpu.dynamic_gather %max3A_941[%gather3A_946] in [0] : vector<16xi32>, vector<16xi32> -> vector<16xi32>
      %max3A_948 = arith.maxsi %max3A_941, %gather3A_947 : vector<16xi32>
      %eq3A_949 = arith.cmpi eq, %select_n3A_906, %max3A_948 : vector<16xi32>
      %select_n3A_950 = arith.select %eq3A_949, %broadcast_in_dim3A_650, %select_n3A_906 : vector<16xi1>, vector<16xi32>
      %eq3A_951 = arith.cmpi eq, %select_n3A_908, %max3A_948 : vector<16xi32>
      %select_n3A_952 = arith.select %eq3A_951, %broadcast_in_dim3A_650, %select_n3A_908 : vector<16xi1>, vector<16xi32>
      %eq3A_953 = arith.cmpi eq, %select_n3A_910, %max3A_948 : vector<16xi32>
      %select_n3A_954 = arith.select %eq3A_953, %broadcast_in_dim3A_650, %select_n3A_910 : vector<16xi1>, vector<16xi32>
      %eq3A_955 = arith.cmpi eq, %select_n3A_912, %max3A_948 : vector<16xi32>
      %select_n3A_956 = arith.select %eq3A_955, %broadcast_in_dim3A_650, %select_n3A_912 : vector<16xi1>, vector<16xi32>
      %eq3A_957 = arith.constant 6 : i32
      %eq3A_958 = vector.broadcast %eq3A_957 : i32 to vector<16xi32>
      %eq3A_959 = arith.cmpi eq, %iota3A_544, %eq3A_958 : vector<16xi32>
      %select_n3A_960 = arith.select %eq3A_959, %max3A_948, %select_n3A_916 : vector<16xi1>, vector<16xi32>
      %max3A_961 = arith.maxsi %select_n3A_950, %select_n3A_952 : vector<16xi32>
      %max3A_962 = arith.maxsi %select_n3A_954, %select_n3A_956 : vector<16xi32>
      %max3A_963 = arith.maxsi %max3A_961, %max3A_962 : vector<16xi32>
      %iota3A_964 = tpu.iota {dimensions = array<i32: 0>} : vector<16xi32>
      %xor3A_965 = arith.constant 1 : i32
      %xor3A_966 = vector.broadcast %xor3A_965 : i32 to vector<16xi32>
      %xor3A_967 = arith.xori %iota3A_964, %xor3A_966 : vector<16xi32>
      %broadcast_in_dim3A_968 = vector.shape_cast %xor3A_967 : vector<16xi32> to vector<16x1xi32>
      %gather3A_969 = vector.shape_cast %broadcast_in_dim3A_968 : vector<16x1xi32> to vector<16xi32>
      %gather3A_970 = tpu.dynamic_gather %max3A_963[%gather3A_969] in [0] : vector<16xi32>, vector<16xi32> -> vector<16xi32>
      %max3A_971 = arith.maxsi %max3A_963, %gather3A_970 : vector<16xi32>
      %xor3A_972 = arith.constant 2 : i32
      %xor3A_973 = vector.broadcast %xor3A_972 : i32 to vector<16xi32>
      %xor3A_974 = arith.xori %iota3A_964, %xor3A_973 : vector<16xi32>
      %broadcast_in_dim3A_975 = vector.shape_cast %xor3A_974 : vector<16xi32> to vector<16x1xi32>
      %gather3A_976 = vector.shape_cast %broadcast_in_dim3A_975 : vector<16x1xi32> to vector<16xi32>
      %gather3A_977 = tpu.dynamic_gather %max3A_971[%gather3A_976] in [0] : vector<16xi32>, vector<16xi32> -> vector<16xi32>
      %max3A_978 = arith.maxsi %max3A_971, %gather3A_977 : vector<16xi32>
      %xor3A_979 = arith.constant 4 : i32
      %xor3A_980 = vector.broadcast %xor3A_979 : i32 to vector<16xi32>
      %xor3A_981 = arith.xori %iota3A_964, %xor3A_980 : vector<16xi32>
      %broadcast_in_dim3A_982 = vector.shape_cast %xor3A_981 : vector<16xi32> to vector<16x1xi32>
      %gather3A_983 = vector.shape_cast %broadcast_in_dim3A_982 : vector<16x1xi32> to vector<16xi32>
      %gather3A_984 = tpu.dynamic_gather %max3A_978[%gather3A_983] in [0] : vector<16xi32>, vector<16xi32> -> vector<16xi32>
      %max3A_985 = arith.maxsi %max3A_978, %gather3A_984 : vector<16xi32>
      %xor3A_986 = arith.constant 8 : i32
      %xor3A_987 = vector.broadcast %xor3A_986 : i32 to vector<16xi32>
      %xor3A_988 = arith.xori %iota3A_964, %xor3A_987 : vector<16xi32>
      %broadcast_in_dim3A_989 = vector.shape_cast %xor3A_988 : vector<16xi32> to vector<16x1xi32>
      %gather3A_990 = vector.shape_cast %broadcast_in_dim3A_989 : vector<16x1xi32> to vector<16xi32>
      %gather3A_991 = tpu.dynamic_gather %max3A_985[%gather3A_990] in [0] : vector<16xi32>, vector<16xi32> -> vector<16xi32>
      %max3A_992 = arith.maxsi %max3A_985, %gather3A_991 : vector<16xi32>
      %eq3A_993 = arith.cmpi eq, %select_n3A_950, %max3A_992 : vector<16xi32>
      %select_n3A_994 = arith.select %eq3A_993, %broadcast_in_dim3A_650, %select_n3A_950 : vector<16xi1>, vector<16xi32>
      %eq3A_995 = arith.cmpi eq, %select_n3A_952, %max3A_992 : vector<16xi32>
      %select_n3A_996 = arith.select %eq3A_995, %broadcast_in_dim3A_650, %select_n3A_952 : vector<16xi1>, vector<16xi32>
      %eq3A_997 = arith.cmpi eq, %select_n3A_954, %max3A_992 : vector<16xi32>
      %select_n3A_998 = arith.select %eq3A_997, %broadcast_in_dim3A_650, %select_n3A_954 : vector<16xi1>, vector<16xi32>
      %eq3A_999 = arith.cmpi eq, %select_n3A_956, %max3A_992 : vector<16xi32>
      %select_n3A_1000 = arith.select %eq3A_999, %broadcast_in_dim3A_650, %select_n3A_956 : vector<16xi1>, vector<16xi32>
      %eq3A_1001 = arith.constant 7 : i32
      %eq3A_1002 = vector.broadcast %eq3A_1001 : i32 to vector<16xi32>
      %eq3A_1003 = arith.cmpi eq, %iota3A_544, %eq3A_1002 : vector<16xi32>
      %select_n3A_1004 = arith.select %eq3A_1003, %max3A_992, %select_n3A_960 : vector<16xi1>, vector<16xi32>
      %and3A_1005 = arith.constant 63 : i32
      %and3A_1006 = vector.broadcast %and3A_1005 : i32 to vector<16xi32>
      %and3A_1007 = arith.andi %select_n3A_1004, %and3A_1006 : vector<16xi32>
      %sub3A_1008 = arith.constant 63 : i32
      %sub3A_1009 = vector.broadcast %sub3A_1008 : i32 to vector<16xi32>
      %sub3A_1010 = arith.subi %sub3A_1009, %and3A_1007 : vector<16xi32>
      %and3A_1011 = arith.constant -64 : i32
      %and3A_1012 = vector.broadcast %and3A_1011 : i32 to vector<16xi32>
      %and3A_1013 = arith.andi %select_n3A_1004, %and3A_1012 : vector<16xi32>
      %ge3A_1014 = arith.constant 0 : i32
      %ge3A_1015 = vector.broadcast %ge3A_1014 : i32 to vector<16xi32>
      %ge3A_1016 = arith.cmpi sge, %and3A_1013, %ge3A_1015 : vector<16xi32>
      %sub3A_1017 = arith.constant -2147483648 : i32
      %sub3A_1018 = vector.broadcast %sub3A_1017 : i32 to vector<16xi32>
      %sub3A_1019 = arith.subi %sub3A_1018, %and3A_1013 : vector<16xi32>
      %select_n3A_1020 = arith.select %ge3A_1016, %and3A_1013, %sub3A_1019 : vector<16xi1>, vector<16xi32>
      %bitcast_convert_type3A_1021 = tpu.bitcast %select_n3A_1020 : vector<16xi32> -> vector<16xf32>
      %and3A_1022 = arith.constant -64 : i32
      %and3A_1023 = vector.broadcast %and3A_1022 : i32 to vector<16xi32>
      %and3A_1024 = arith.andi %max3A_684, %and3A_1023 : vector<16xi32>
      %ge3A_1025 = arith.constant 0 : i32
      %ge3A_1026 = vector.broadcast %ge3A_1025 : i32 to vector<16xi32>
      %ge3A_1027 = arith.cmpi sge, %and3A_1024, %ge3A_1026 : vector<16xi32>
      %sub3A_1028 = arith.constant -2147483648 : i32
      %sub3A_1029 = vector.broadcast %sub3A_1028 : i32 to vector<16xi32>
      %sub3A_1030 = arith.subi %sub3A_1029, %and3A_1024 : vector<16xi32>
      %select_n3A_1031 = arith.select %ge3A_1027, %and3A_1024, %sub3A_1030 : vector<16xi1>, vector<16xi32>
      %bitcast_convert_type3A_1032 = tpu.bitcast %select_n3A_1031 : vector<16xi32> -> vector<16xf32>
      %sub3A_1033 = arith.subf %bitcast_convert_type3A_1021, %bitcast_convert_type3A_1032 : vector<16xf32>
      %exp3A_1034 = math.exp %sub3A_1033 : vector<16xf32>
      %lt3A_1035 = arith.constant 8 : i32
      %lt3A_1036 = vector.broadcast %lt3A_1035 : i32 to vector<16xi32>
      %lt3A_1037 = arith.cmpi slt, %iota3A_544, %lt3A_1036 : vector<16xi32>
      %jit3A_1038 = arith.constant 0.000000e+00 : f32
      %broadcast_in_dim3A_1039 = vector.broadcast %jit3A_1038 : f32 to vector<16xf32>
      %select_n3A_1040 = arith.select %lt3A_1037, %exp3A_1034, %broadcast_in_dim3A_1039 : vector<16xi1>, vector<16xf32>
      %iota3A_1041 = tpu.iota {dimensions = array<i32: 0>} : vector<16xi32>
      %xor3A_1042 = arith.constant 1 : i32
      %xor3A_1043 = vector.broadcast %xor3A_1042 : i32 to vector<16xi32>
      %xor3A_1044 = arith.xori %iota3A_1041, %xor3A_1043 : vector<16xi32>
      %broadcast_in_dim3A_1045 = vector.shape_cast %xor3A_1044 : vector<16xi32> to vector<16x1xi32>
      %gather3A_1046 = vector.shape_cast %broadcast_in_dim3A_1045 : vector<16x1xi32> to vector<16xi32>
      %gather3A_1047 = tpu.dynamic_gather %select_n3A_1040[%gather3A_1046] in [0] : vector<16xf32>, vector<16xi32> -> vector<16xf32>
      %add3A_1048 = arith.addf %select_n3A_1040, %gather3A_1047 : vector<16xf32>
      %xor3A_1049 = arith.constant 2 : i32
      %xor3A_1050 = vector.broadcast %xor3A_1049 : i32 to vector<16xi32>
      %xor3A_1051 = arith.xori %iota3A_1041, %xor3A_1050 : vector<16xi32>
      %broadcast_in_dim3A_1052 = vector.shape_cast %xor3A_1051 : vector<16xi32> to vector<16x1xi32>
      %gather3A_1053 = vector.shape_cast %broadcast_in_dim3A_1052 : vector<16x1xi32> to vector<16xi32>
      %gather3A_1054 = tpu.dynamic_gather %add3A_1048[%gather3A_1053] in [0] : vector<16xf32>, vector<16xi32> -> vector<16xf32>
      %add3A_1055 = arith.addf %add3A_1048, %gather3A_1054 : vector<16xf32>
      %xor3A_1056 = arith.constant 4 : i32
      %xor3A_1057 = vector.broadcast %xor3A_1056 : i32 to vector<16xi32>
      %xor3A_1058 = arith.xori %iota3A_1041, %xor3A_1057 : vector<16xi32>
      %broadcast_in_dim3A_1059 = vector.shape_cast %xor3A_1058 : vector<16xi32> to vector<16x1xi32>
      %gather3A_1060 = vector.shape_cast %broadcast_in_dim3A_1059 : vector<16x1xi32> to vector<16xi32>
      %gather3A_1061 = tpu.dynamic_gather %add3A_1055[%gather3A_1060] in [0] : vector<16xf32>, vector<16xi32> -> vector<16xf32>
      %add3A_1062 = arith.addf %add3A_1055, %gather3A_1061 : vector<16xf32>
      %xor3A_1063 = arith.constant 8 : i32
      %xor3A_1064 = vector.broadcast %xor3A_1063 : i32 to vector<16xi32>
      %xor3A_1065 = arith.xori %iota3A_1041, %xor3A_1064 : vector<16xi32>
      %broadcast_in_dim3A_1066 = vector.shape_cast %xor3A_1065 : vector<16xi32> to vector<16x1xi32>
      %gather3A_1067 = vector.shape_cast %broadcast_in_dim3A_1066 : vector<16x1xi32> to vector<16xi32>
      %gather3A_1068 = tpu.dynamic_gather %add3A_1062[%gather3A_1067] in [0] : vector<16xf32>, vector<16xi32> -> vector<16xf32>
      %add3A_1069 = arith.addf %add3A_1062, %gather3A_1068 : vector<16xf32>
      %div3A_1070 = arith.divf %select_n3A_1040, %add3A_1069 : vector<16xf32>
      %mul3A_1071 = arith.constant 16 : i32
      %mul3A_1072 = arith.muli %add3A_543, %mul3A_1071 : i32
      %swap3A_1073 = arith.index_cast %mul3A_1072 : i32 to index
      %swap3A_1074 = tpu.vector_load %arg6[%swap3A_1073] {strides = array<i32>} : memref<16384xf32, #tpu.memory_space<vmem>>, vector<16xf32>,
      %swap3A_1075 = vector.shape_cast %swap3A_1074 : vector<16xf32> to vector<16xf32>
      %swap3A_1076 = vector.shape_cast %div3A_1070 : vector<16xf32> to vector<16xf32>
      tpu.vector_store %arg6[%swap3A_1073], %swap3A_1076 {strides = array<i32>} : memref<16384xf32, #tpu.memory_space<vmem>>, vector<16xf32>,
      %mul3A_1077 = arith.constant 16 : i32
      %mul3A_1078 = arith.muli %add3A_543, %mul3A_1077 : i32
      %swap3A_1079 = arith.index_cast %mul3A_1078 : i32 to index
      %swap3A_1080 = tpu.vector_load %arg7[%swap3A_1079] {strides = array<i32>} : memref<16384xi32, #tpu.memory_space<vmem>>, vector<16xi32>,
      %swap3A_1081 = vector.shape_cast %swap3A_1080 : vector<16xi32> to vector<16xi32>
      %swap3A_1082 = vector.shape_cast %sub3A_1010 : vector<16xi32> to vector<16xi32>
      tpu.vector_store %arg7[%swap3A_1079], %swap3A_1082 {strides = array<i32>} : memref<16384xi32, #tpu.memory_space<vmem>>, vector<16xi32>,
    }
    %scan3A_9 = arith.constant 512 : i32
    %mul3A_10 = arith.constant 16 : i32
    %mul3A_11 = arith.muli %mul3A_2, %mul3A_10 : i32
    "tpu.region"() ({
      %run_scoped3A = tpu.sem_alloc : memref<!tpu.dma_semaphore, #tpu.memory_space<semaphore_mem>>
      %dma_start3A = tpu.memref_slice %arg3[%mul3A_11] : memref<524288xf32, #tpu.memory_space<hbm>> -> memref<16384xf32, #tpu.memory_space<hbm>>
      %dma_start3A_14 = tpu.memref_slice %arg3[%mul3A_11] : memref<524288xf32, #tpu.memory_space<hbm>> -> memref<16384xf32, #tpu.memory_space<hbm>>
      tpu.enqueue_dma source(%arg6 : memref<16384xf32, #tpu.memory_space<vmem>>) target(%dma_start3A_14 : memref<16384xf32, #tpu.memory_space<hbm>>) target_semaphore(%run_scoped3A : memref<!tpu.dma_semaphore, #tpu.memory_space<semaphore_mem>>)
      %dma_wait3A = tpu.memref_slice %arg3[%mul3A_11] : memref<524288xf32, #tpu.memory_space<hbm>> -> memref<16384xf32, #tpu.memory_space<hbm>>
      %dma_wait3A_15 = tpu.memref_slice %arg3[%mul3A_11] : memref<524288xf32, #tpu.memory_space<hbm>> -> memref<16384xf32, #tpu.memory_space<hbm>>
      tpu.wait_dma2 semaphore(%run_scoped3A : memref<!tpu.dma_semaphore, #tpu.memory_space<semaphore_mem>>) src(%arg6 : memref<16384xf32, #tpu.memory_space<vmem>>) dst(%dma_wait3A_15 : memref<16384xf32, #tpu.memory_space<hbm>>)
      tpu.yield
    }) : () -> ()
    %mul3A_12 = arith.constant 16 : i32
    %mul3A_13 = arith.muli %mul3A_2, %mul3A_12 : i32
    "tpu.region"() ({
      %run_scoped3A = tpu.sem_alloc : memref<!tpu.dma_semaphore, #tpu.memory_space<semaphore_mem>>
      %dma_start3A = tpu.memref_slice %arg4[%mul3A_13] : memref<524288xi32, #tpu.memory_space<hbm>> -> memref<16384xi32, #tpu.memory_space<hbm>>
      %dma_start3A_14 = tpu.memref_slice %arg4[%mul3A_13] : memref<524288xi32, #tpu.memory_space<hbm>> -> memref<16384xi32, #tpu.memory_space<hbm>>
      tpu.enqueue_dma source(%arg7 : memref<16384xi32, #tpu.memory_space<vmem>>) target(%dma_start3A_14 : memref<16384xi32, #tpu.memory_space<hbm>>) target_semaphore(%run_scoped3A : memref<!tpu.dma_semaphore, #tpu.memory_space<semaphore_mem>>)
      %dma_wait3A = tpu.memref_slice %arg4[%mul3A_13] : memref<524288xi32, #tpu.memory_space<hbm>> -> memref<16384xi32, #tpu.memory_space<hbm>>
      %dma_wait3A_15 = tpu.memref_slice %arg4[%mul3A_13] : memref<524288xi32, #tpu.memory_space<hbm>> -> memref<16384xi32, #tpu.memory_space<hbm>>
      tpu.wait_dma2 semaphore(%run_scoped3A : memref<!tpu.dma_semaphore, #tpu.memory_space<semaphore_mem>>) src(%arg7 : memref<16384xi32, #tpu.memory_space<vmem>>) dst(%dma_wait3A_15 : memref<16384xi32, #tpu.memory_space<hbm>>)
      tpu.yield
    }) : () -> ()
    return
  }
}

module attributes {stable_mosaic.version = 14 : i64} {
  func.func @_matmul_block(%arg0: i32, %arg1: memref<1024x4096xf32, #tpu.memory_space<vmem>>, %arg2: memref<64x4096xf32, #tpu.memory_space<vmem>>, %arg3: memref<1024x64xf32, #tpu.memory_space<vmem>>) attributes {dimension_semantics = [#tpu.dimension_semantics<arbitrary>], iteration_bounds = array<i64: 32>, scalar_prefetch = 0 : i64, scratch_operands = 0 : i64, tpu.core_type = #tpu.core_type<tc>, window_params = [{transform_indices = @transform_0, window_bounds = array<i64: 1024, 4096>}, {pipeline_mode = #tpu.pipeline_mode<synchronous>, transform_indices = @transform_1, window_bounds = array<i64: 64, 4096>}, {transform_indices = @transform_2, window_bounds = array<i64: 1024, 64>}]} {
    %get3A = arith.constant 0 : index
    %get3A_0 = arith.constant 0 : index
    %get3A_1 = vector.load %arg2[%get3A, %get3A_0] : memref<64x4096xf32, #tpu.memory_space<vmem>>, vector<64x4096xf32>
    %get3A_2 = arith.constant 0 : index
    %get3A_3 = arith.constant 0 : index
    %get3A_4 = vector.load %arg1[%get3A_2, %get3A_3] : memref<1024x4096xf32, #tpu.memory_space<vmem>>, vector<1024x4096xf32>
    %dot_general3A = arith.constant dense<0.000000e+00> : vector<64x1024xf32>
    %dot_general3A_5 = tpu.matmul %get3A_1, %get3A_4, %dot_general3A {dimension_numbers = #tpu.dot_dimension_numbers<[1], [1], [0], [0], [0, 0, 1, 0], [], []>, transpose_lhs_hint = false} : vector<64x4096xf32>, vector<1024x4096xf32>, vector<64x1024xf32> -> vector<64x1024xf32>
    %transpose3A = tpu.transpose %dot_general3A_5, [1, 0] : vector<64x1024xf32> -> vector<1024x64xf32>
    %swap3A = arith.constant 0 : index
    %swap3A_6 = arith.constant 0 : index
    %swap3A_7 = vector.load %arg3[%swap3A, %swap3A_6] : memref<1024x64xf32, #tpu.memory_space<vmem>>, vector<1024x64xf32>
    tpu.vector_store %arg3[%swap3A, %swap3A_6], %transpose3A {strides = array<i32>} : memref<1024x64xf32, #tpu.memory_space<vmem>>, vector<1024x64xf32>,
    return
  }
  func.func @transform_0(%arg0: i32) -> (i32, i32) {
    %c0_i32 = arith.constant 0 : i32
    %c0_i32_0 = arith.constant 0 : i32
    return %arg0, %c0_i32 : i32, i32
  }
  func.func @transform_1(%arg0: i32) -> (i32, i32) {
    %c0_i32 = arith.constant 0 : i32
    %c0_i32_0 = arith.constant 0 : i32
    %c0_i32_1 = arith.constant 0 : i32
    return %c0_i32, %c0_i32_0 : i32, i32
  }
  func.func @transform_2(%arg0: i32) -> (i32, i32) {
    %c0_i32 = arith.constant 0 : i32
    %c0_i32_0 = arith.constant 0 : i32
    return %arg0, %c0_i32 : i32, i32
  }
}

</mosaic_0001>

<sc_bundles>
// kernel: kernel.4.cloned.1.call-start
scs
__scs_entry_jumppad:
0x0: {  	(pc) =	sbr.rel $0x88, $3  }
0x1: {  	(tag) =	ssettag $0x0;
	lr =	simm.s32 $0x1  }
0x2: {  	[smem:$0x3F9F] =	sst lr;
	_ =	strace $0xD0000000  }
0x3: {  	_ = 	snop  }
0x4: {  	_ = 	snop  }
0x5: {  	_ = 	snop  }
0x6: {  	_ = 	snop  }
0x7: {  	_ = 	snop  }
__scs_overlays_trampoline_lowered:
0x8: {  	[smem:$0x3FAE] =	sst s0  }
0x9: {  	[smem:$0x3FAF] =	sst s1  }
0xa: {  	[smem:$0x3FB0] =	sst s2  }
0xb: {  	[smem:$0x3FB1] =	sst s3  }
0xc: {  	[smem:$0x3FB2] =	sst s4  }
0xd: {  	[smem:$0x3FB3] =	sst s5  }
0xe: {  	[smem:$0x3FB4] =	sst s6  }
0xf: {  	[smem:$0x3FB5] =	sst s7  }
0x10: {  	[smem:$0x3FB6] =	sst s8  }
0x11: {  	[smem:$0x3FB7] =	sst s9;
	s0 =	simm.s32 @!p0 $0x0  }
0x12: {  	s1 =	sld [smem:$0x3F9D];
	s0 =	simm.s32 @p0 $0x1  }
0x13: {  	[smem:$0x3FB8] =	sst s0;
	s0 =	simm.s32 @!p1 $0x0  }
0x14: {  	s2 =	sld [smem:$0x3F9C];
	s0 =	simm.s32 @p1 $0x1  }
0x15: {  	[smem:$0x3FB9] =	sst s0;
	s0 =	simm.s32 @!p2 $0x0  }
0x16: {  	s3 =	sld [smem:$0x3FDB];
	s0 =	simm.s32 @p2 $0x1  }
0x17: {  	s4 =	simm.s32 $0x1BF5;
	[smem:$0x3FBB] =	sst s0  }
0x18: {  	s0 =	sld [smem:$0x3F9E];
	_ =	swait.ge [sflag:s4], $0x0  }
0x19: {  	s7 =	sld [smem:$0x3F9F]  }
0x1a: {  	s8 =	sadd.s32 $0xFFFFE003, lr  }
0x1b: {  	s9 =	sadd.s32 $0xFFFFFEF7, lr;
	s5 =	simm.s32 $0xFFFFFFFF;
	p2 =	slt.u32 s8, $0xFFFFF086  }
0x1c: {  	p1 =	slt.u32 s9, $0xF7A;
	s5 =	simm.s32 @!p2 $0x0  }
0x1d: {  	s5 =	simm.s32 @p1 $0x1;
	p0 =	seq.s32 s7, s2  }
0x1e: {  	s7 =	smul.u32 @!p0 $0xF7A, s2;
	p2 =	seq.s32 @!p0 s5, $0x0  }
0x1f: {  	s9 =	smul.u32 $0xF7A, s1;
	s8 =	simm.s32 @!p0 $0x1BF5;
	p2 =	por !p2, p0  }
0x20: {  	[sflag:s8] =	ssyncset.s32 @!p0 $0xFFFFF086;
	s6 =	sadd.s32 @!p0 s3, s7;
	s7 =	simm.s32 @!p0 $0x108  }
0x21: {  	s3 =	sadd.s32 s3, s9;
	s6 =	sadd.s32 @!p0 $0x88, s6;
	s7 =	simm.s32 @p2 $0x1082  }
0x22: {  	[simem:s7], [sflag:s8] =	dma.local @!p0 [hbm:s6], $0xF7A  }
0x23: {  	s9 =	sor.u32 $0xD0000000, s2;
	s6 =	simm.s32 $0x108;
	_ =	swait.ge @!p0 [sflag:s8], $0x0  }
0x24: {  	s3 =	sadd.s32 $0x88, s3;
	s6 =	simm.s32 @!p1 $0x1082;
	[sflag:s4] =	ssyncset.s32 $0xFFFFF086  }
0x25: {  	[simem:s6], [sflag:s4] =	dma.local [hbm:s3], $0xF7A  }
0x26: {  	[smem:$0x3F9F] =	sst s1;
	(tag) =	ssettag s2;
	_ =	strace s9  }
0x27: {  	s1 =	sld [smem:$0x3FAF]  }
0x28: {  	s2 =	sld [smem:$0x3FB0]  }
0x29: {  	s4 =	sld [smem:$0x3FB2]  }
0x2a: {  	p0 =	seq.s32 s5, $0x0;
	s5 =	sld [smem:$0x3FB3]  }
0x2b: {  	s6 =	sld [smem:$0x3FB4]  }
0x2c: {  	s7 =	sld [smem:$0x3FB5]  }
0x2d: {  	s3 =	simm.s32 $0x108;
	s8 =	sld [smem:$0x3FB6]  }
0x2e: {  	s3 =	simm.s32 @!p0 $0x1082;
	s9 =	sld [smem:$0x3FB7]  }
0x2f: {  	lr =	sadd.s32 s0, s3;
	s0 =	sld [smem:$0x3FAE]  }
0x30: {  	s3 =	sld [smem:$0x3FB1]  }
0x31: {  	[smem:$0x3FBA] =	sst s10  }
0x32: {  	s10 =	sld [smem:$0x3FB8];
	_ =	sdelay $0x3  }
0x33: {  	p0 =	seq.s32 s10, $0x1;
	s10 =	sld [smem:$0x3FBA];
	_ =	sdelay $0x3  }
0x34: {  	[smem:$0x3FBA] =	sst s10  }
0x35: {  	s10 =	sld [smem:$0x3FB9];
	_ =	sdelay $0x3  }
0x36: {  	p1 =	seq.s32 s10, $0x1;
	s10 =	sld [smem:$0x3FBA];
	_ =	sdelay $0x3  }
0x37: {  	[smem:$0x3FBA] =	sst s10  }
0x38: {  	s10 =	sld [smem:$0x3FBB]  }
0x39: {  	_ = 	snop;
	(pc) =	sbr.ind lr, $3  }
0x3a: {  	_ = 	snop  }
0x3b: {  	_ = 	snop  }
0x3c: {  	p2 =	seq.s32 s10, $0x1;
	s10 =	sld [smem:$0x3FBA]  }
0x3d: {  	_ =	shalt  }
0x3e: {  	_ =	shalt  }
0x3f: {  	_ =	shalt  }
0x40: {  	_ =	shalt  }
0x41: {  	_ =	shalt  }
0x42: {  	_ =	shalt  }
0x43: {  	_ =	shalt  }
0x44: {  	_ =	shalt  }
0x45: {  	_ =	shalt  }
0x46: {  	_ =	shalt  }
0x47: {  	_ =	shalt  }
0x48: {  	_ =	shalt  }
0x49: {  	_ =	shalt  }
0x4a: {  	_ =	shalt  }
0x4b: {  	_ =	shalt  }
0x4c: {  	_ =	shalt  }
0x4d: {  	_ =	shalt  }
0x4e: {  	_ =	shalt  }
0x4f: {  	_ =	shalt  }
0x50: {  	_ =	shalt  }
0x51: {  	_ =	shalt  }
0x52: {  	_ =	shalt  }
0x53: {  	_ =	shalt  }
0x54: {  	_ =	shalt  }
0x55: {  	_ =	shalt  }
0x56: {  	_ =	shalt  }
0x57: {  	_ =	shalt  }
0x58: {  	_ =	shalt  }
0x59: {  	_ =	shalt  }
0x5a: {  	_ =	shalt  }
0x5b: {  	_ =	shalt  }
0x5c: {  	_ =	shalt  }
0x5d: {  	_ =	shalt  }
0x5e: {  	_ =	shalt  }
0x5f: {  	_ =	shalt  }
0x60: {  	_ =	shalt  }
0x61: {  	_ =	shalt  }
0x62: {  	_ =	shalt  }
0x63: {  	_ =	shalt  }
0x64: {  	_ =	shalt  }
0x65: {  	_ =	shalt  }
0x66: {  	_ =	shalt  }
0x67: {  	_ =	shalt  }
0x68: {  	_ =	shalt  }
0x69: {  	_ =	shalt  }
0x6a: {  	_ =	shalt  }
0x6b: {  	_ =	shalt  }
0x6c: {  	_ =	shalt  }
0x6d: {  	_ =	shalt  }
0x6e: {  	_ =	shalt  }
0x6f: {  	_ =	shalt  }
0x70: {  	_ =	shalt  }
0x71: {  	_ =	shalt  }
0x72: {  	_ =	shalt  }
0x73: {  	_ =	shalt  }
0x74: {  	_ =	shalt  }
0x75: {  	_ =	shalt  }
0x76: {  	_ =	shalt  }
0x77: {  	_ =	shalt  }
0x78: {  	_ =	shalt  }
0x79: {  	_ =	shalt  }
0x7a: {  	_ =	shalt  }
0x7b: {  	_ =	shalt  }
0x7c: {  	_ =	shalt  }
0x7d: {  	_ =	shalt  }
0x7e: {  	_ =	shalt  }
0x7f: {  	_ =	shalt  }
0x80: {  	_ =	shalt  }
0x81: {  	_ =	shalt  }
0x82: {  	_ =	shalt  }
0x83: {  	_ =	shalt  }
0x84: {  	_ =	shalt  }
0x85: {  	_ =	shalt  }
0x86: {  	_ =	shalt  }
0x87: {  	_ =	shalt  }
.Lfunc_end0:
.L_simem_size_0:
called_computation_lowered:
.L_overlay_start_0:
0x88: {  	s2 =	sld [smem:$0x3FD9]  }
0x89: {  	s3 =	sld [smem:$0x3FFE];
	_ =	sdelay $0x1  }
0x8a: {  	s1 =	srdreg.scid  }
0x8b: {  	s0 =	sand.u32 $0x1, s1  }
0x8c: {  	s16 =	sshll.u32 s0, $0xA;
	s2 =	sadd.s32 s3, s2  }
0x8d: {  	s2 =	sadd.s32 s2, s16  }
0x8e: {  	[smem:$0x3FC6] =	sst s2  }
0x8f: {  	_ = 	snop  }
0x90: {  	(tm) =	ssettm $0x1  }
0x91: {  	s17 =	sld [smem:$0x3FFB];
	_ =	sdelay $0x3  }
0x92: {  	_ =	strace s17  }
0x93: {  	s2 =	sld [smem:$0x3FFC];
	_ =	sdelay $0x3  }
0x94: {  	_ =	strace s2  }
0x95: {  	s2 =	sld [smem:$0x3FFD];
	_ =	sdelay $0x3  }
0x96: {  	_ =	strace s2  }
0x97: {  	_ =	strace $0x8FFFFFFF  }
0x98: {  	s18 =	sld [smem:$0x3FDB];
	_ =	sdelay $0x1  }
0x99: {  	s19 =	simm.s32 $_scs_section_size  }
0x9a: {  	s4 =	simm.s32 $_size__tile_overlayer_lowered;
	s5 =	simm.s32 $_tile_overlayer_lowered  }
0x9b: {  	s22 =	simm.s32 $0x1BFF;
	s21 =	sshll.u32 s5, $0x1;
	s2 =	sadd.s32 s19, s18  }
0x9c: {  	s6 =	simm.s32 $0x0;
	s20 =	sshll.u32 s4, $0x1;
	s4 =	sadd.s32 s21, s2  }
0x9d: {  	[timem:s6], [sflag:s22] =	dma.local [hbm:s4], s20  }
0x9e: {  	_ =	swait.ge [sflag:s22], s20  }
0x9f: {  	s3 =	ssub.s32 $0x0, s20;
	[sflag:s22] =	ssyncset.done $0x0  }
0xa0: {  	[sflag:s22] =	ssyncadd.s32 s3;
	_ =	sdelay $0x1  }
0xa1: {  	s23 =	simm.s32 $0x1B8B  }
0xa2: {  	_ =	swait.ge [sflag:s23], $0x1  }
0xa3: {  	[sflag:s23] =	ssyncset.done $0x0  }
0xa4: {  	s25 =	simm.s32 $0x1B8E;
	s24 =	sld [smem:$0x3FFE];
	[sflag:s23] =	ssyncadd.s32 $0xFFFFFFFF  }
0xa5: {  	s26 =	simm.s32 $execute0_lowered;
	[smem:$0x3FD2] =	sst s25  }
0xa6: {  	s4 =	sshll.u32 s26, $0x1;
	_ =	strace $0x80000046;
	[dreg:$0x1] =	wrdreg $0xFFFFFFFF  }
0xa7: {  	s28 =	simm.s32 $_size_execute0_lowered;
	s2 =	sadd.s32 s2, s4;
	[dreg:$0x0] =	wrdreg $0x0  }
0xa8: {  	s4 =	sshll.u32 s28, $0x1;
	[dreg:$0x2] =	wrdreg s2  }
0xa9: {  	[dreg:$0x3] =	wrdreg s4  }
0xaa: {  	[dreg:$0x4] =	wrdreg $0xC0  }
0xab: {  	_ =	task [dreg:s6], $0x5FFFF  }
0xac: {  	[dreg:$0x1] =	wrdreg $0xFFFFFFFF  }
0xad: {  	[dreg:$0x0] =	wrdreg $0x60  }
0xae: {  	[dreg:$0x2] =	wrdreg s24  }
0xaf: {  	[dreg:$0x3] =	wrdreg $0x9  }
0xb0: {  	_ =	task.clear_ibuf [dreg:s6], $0x4FFFF;
	_ =	strace $0x90000046  }
0xb1: {  	s29 =	simm.s32 $0x9;
	_ =	strace $0x80000048  }
0xb2: {  	_ =	swait.ge [sflag:s29], $0x1  }
0xb3: {  	[sflag:s29] =	ssyncadd.s32 $0xFFFFFFFF  }
0xb4: {  	_ =	strace $0x90000048  }
0xb5: {  	_ =	sfence  }
0xb6: {  	s30 =	sld [smem:$0x0];
	_ =	sdelay $0x2  }
0xb7: {  	s31 =	sshll.u32 s1, $0xD;
	s1 =	sshrl.u32 s1, $0x2  }
0xb8: {  	s3 =	sand.u32 $0x4000, s31;
	s1 =	sadd.s32 s1, s30  }
0xb9: {  	s0 =	sor.u32 s3, s0;
	s1 =	sshll.u32 s1, $0x11  }
0xba: {  	s0 =	sor.u32 s1, s0  }
0xbb: {  	s0 =	sadd.s32 $0x8F2B, s0  }
0xbc: {  	[sflag:s0] =	ssyncadd.remote.s32 $0x1  }
0xbd: {  	_ =	sfence.sel $0xFFFF  }
0xbe: {  	[dreg:$0x0] =	wrdreg $0xFFFFFFFF;
	(pc) =	sbr.abs _section_cstart, $3  }
0xbf: {  	[dreg:$0x1] =	wrdreg $0xFFFFFFFF  }
0xc0: {  	_ =	task.clear_ibuf [dreg:s6], $0x2FFFF;
	_ =	strace $0x9FFFFFFF  }
0xc1: {  	(tm) =	ssettm $0x7FFFFFFF  }
tec
execute0_lowered:
.L_overlay_start_1:
0x0: {  	(tag) =	ssettag $0x1  }
0x1: {  	v0 =	vimm.s32 $0xEFCDAB89;
	v1 =	vimm.s32 $0x67452301  }
0x2: {  	v2 =	vlaneseq.u32;
	v5 =	vimm.s32 $0xBA98FEDC;
	v6 =	vimm.s32 $0x32107654  }
0x3: {  	v7 =	vimm.s32 $0xFEDCBA98;
	v8 =	vimm.s32 $0x76543210;
	vm0 =	vmmov $0x1  }
0x4: {  	vm1 =	vcmask $0x320;
	vm2 =	vcmask $0x720;
	vm3 =	vcmask $0xB20  }
0x5: {  	vm4 =	vcmask $0xF20;
	v0 =	vunpack.c.l.s4.s8 v0;
	v1 =	vunpack.c.l.s4.s8 v1  }
0x6: {  	vm5 =	vcmask $0x1320;
	v3 =	vmul.u32 $0xFFFFFFFF, v2;
	v2 =	vimm.s32 $0xDCFE98BA  }
0x7: {  	v2 =	vunpack.c.l.s4.s8 v2;
	v4 =	vunpack.c.0.s8.s32 v0;
	v1 =	vunpack.c.0.s8.s32 v1  }
0x8: {  	s3 =	rddreg [dreg:$0x0];
	v5 =	vunpack.c.l.s4.s8 v5;
	v6 =	vunpack.c.l.s4.s8 v6;
	v7 =	vunpack.c.l.s4.s8 v7  }
0x9: {  	s0 =	rddreg [dreg:$0x1];
	s2 =	simm.s32 $0x0;
	s4 =	srdreg.scid;
	v4 =	vcombine.low v1, v4;
	v1 =	vunpack.c.0.s8.s32 v2;
	v2 =	vimm.s32 $0x54761032  }
0xa: {  	s1 =	stileid.u32;
	vm6 =	vcmask $0x1720;
	s8 =	simm.s32 $0x10000;
	s9 =	simm.s32 $0x14000;
	v8 =	vunpack.c.l.s4.s8 v8;
	v2 =	vunpack.c.l.s4.s8 v2  }
0xb: {  	[smem:$0x7FF] =	sst s2;
	s4 =	sand.u32 $0x1, s4;
	s5 =	sshll.u32 s1, $0x1;
	v5 =	vunpack.c.0.s8.s32 v5;
	v6 =	vunpack.c.0.s8.s32 v6;
	v7 =	vunpack.c.0.s8.s32 v7  }
0xc: {  	vm7 =	vcmask $0x1B20;
	s10 =	simm.s32 $0x0;
	_ =	strace $0x80000047;
	s5 =	sor.u32 s4, s5;
	v8 =	vunpack.c.0.s8.s32 v8;
	v2 =	vunpack.c.0.s8.s32 v2  }
0xd: {  	vm8 =	vmmov $0xff;
	s4 =	ssub.s32 $0x2, s4;
	s6 =	sshll.u32 s5, $0xD;
	s5 =	sshll.u32 s5, $0xB;
	v6 =	vcombine.low v6, v5;
	v7 =	vand.u32 $0xF, v7  }
0xe: {  	v0 =	vadd.s32 $0x3F, v3;
	s31 =	sshrl.u32 s4, $0x1;
	s6 =	sadd.s32 s6, s3;
	s5 =	sadd.s32 s5, s3;
	v7 =	vcombine.low v7, v8;
	v9 =	vcombine.low v2, v1  }
0xf: {  	s7 =	ssub.s32 s4, s31;
	s3 =	sadd.s32 $0xC00, s6;
	s4 =	sadd.s32 $0x40C00, s5;
	v4 =	vand.u32 $0xF, v4;
	v6 =	vand.u32 $0xF, v6;
	v1 =	vadd.s32 $0x2F, v3  }
0x10: {  	s5 =	sadd.s32 $0x50C00, s5;
	s6 =	smax.u32 s7, $0x1;
	s7 =	simm.s32 $0x1;
	v2 =	vadd.s32 $0x1F, v3;
	v3 =	vadd.s32 $0xF, v3;
	v5 =	vand.u32 $0xF, v9  }
.LBB2_1:
0x11: {  	[tilespmem:s2], [sflag:$0x1] =	stream.linear.gather [hbm4b:s3+s2], $0x10000, $0x38;
	[tilespmem:$0x18000] =	vst v63  }
0x12: {  	_ =	swait.ge [sflag:s7], $0x10000  }
0x13: {  	[sflag:s7] =	ssyncset.done $0x0  }
0x14: {  	s11 =	simm.s32 $0x20;
	s12 =	simm.s32 $0x0;
	[sflag:s7] =	ssyncadd.s32 $0xFFFF0000  }
.LBB2_2:
0x15: {  	v8 =	vld [tilespmem:s11+$0xFFFFFFE0]  }
0x16: {  	v10 =	vld [tilespmem:s11+$0x0]  }
0x17: {  	v12 =	vld [tilespmem:s11+$0x10]  }
0x18: {  	v9 =	vld [tilespmem:s11+$0xFFFFFFF0];
	_ =	sdelay $0x1  }
0x19: {  	v11 =	vsub.s32 $0x80000000, v8;
	vm9 =	vlt.s32 v8, $0x0  }
0x1a: {  	v13 =	vsub.s32 $0x80000000, v10;
	vm10 =	vlt.s32 v10, $0x0;
	v8 =	vsel vm9, v11, v8  }
0x1b: {  	v14 =	vsub.s32 $0x80000000, v12;
	vm11 =	vlt.s32 v12, $0x0;
	v8 =	vand.u32 $0xFFFFFFC0, v8  }
0x1c: {  	vm9 =	vlt.s32 v9, $0x0;
	v51 =	vor.u32 v0, v8;
	v8 =	vsub.s32 $0x80000000, v9  }
0x1d: {  	v52 =	vsel vm10, v13, v10;
	v53 =	vsel vm11, v14, v12;
	v8 =	vsel vm9, v8, v9  }
0x1e: {  	v10 =	vand.u32 $0xFFFFFFC0, v53;
	v9 =	vand.u32 $0xFFFFFFC0, v52;
	v8 =	vand.u32 $0xFFFFFFC0, v8  }
0x1f: {  	v10 =	vor.u32 v3, v10;
	v9 =	vor.u32 v2, v9;
	v54 =	vor.u32 v1, v8  }
0x20: {  	vm10 =	vgt.s32 v9, v10;
	vm9 =	vgt.s32 v51, v54  }
0x21: {  	v55 =	vsel vm10, v9, v10;
	v8 =	vsel vm9, v51, v54  }
0x22: {  	vm9 =	vgt.s32 v8, v55  }
0x23: {  	v8 =	vsel vm9, v8, v55  }
0x24: {  	v13 =	vperm.xlane v8, v4;
	_ =	sdelay $0x1  }
0x25: {  	vm9 =	vgt.s32 v8, v13  }
0x26: {  	v8 =	vsel vm9, v8, v13  }
0x27: {  	v13 =	vperm.xlane v8, v5;
	_ =	sdelay $0x1  }
0x28: {  	vm9 =	vgt.s32 v8, v13  }
0x29: {  	v8 =	vsel vm9, v8, v13  }
0x2a: {  	v13 =	vperm.xlane v8, v6;
	_ =	sdelay $0x1  }
0x2b: {  	vm9 =	vgt.s32 v8, v13  }
0x2c: {  	v8 =	vsel vm9, v8, v13  }
0x2d: {  	v13 =	vperm.xlane v8, v7;
	_ =	sdelay $0x1  }
0x2e: {  	vm9 =	vgt.s32 v8, v13  }
0x2f: {  	v8 =	vsel vm9, v8, v13  }
0x30: {  	vm9 =	veq.s32 v51, v8;
	vm10 =	veq.s32 v9, v8  }
0x31: {  	vm11 =	veq.s32 v10, v8;
	v11 =	vsel vm9, $0x80000000, v51;
	vm9 =	veq.s32 v54, v8  }
0x32: {  	v56 =	vsel vm10, $0x80000000, v9;
	v10 =	vsel vm11, $0x80000000, v10;
	v12 =	vsel vm9, $0x80000000, v54  }
0x33: {  	vm10 =	vgt.s32 v56, v10;
	vm9 =	vgt.s32 v11, v12  }
0x34: {  	v58 =	vsel vm10, v56, v10;
	v57 =	vsel vm9, v11, v12  }
0x35: {  	vm9 =	vgt.s32 v57, v58  }
0x36: {  	v9 =	vsel vm9, v57, v58  }
0x37: {  	v14 =	vperm.xlane v9, v4;
	_ =	sdelay $0x1  }
0x38: {  	vm9 =	vgt.s32 v9, v14  }
0x39: {  	v9 =	vsel vm9, v9, v14  }
0x3a: {  	v14 =	vperm.xlane v9, v5;
	_ =	sdelay $0x1  }
0x3b: {  	vm9 =	vgt.s32 v9, v14  }
0x3c: {  	v9 =	vsel vm9, v9, v14  }
0x3d: {  	v14 =	vperm.xlane v9, v6;
	_ =	sdelay $0x1  }
0x3e: {  	vm9 =	vgt.s32 v9, v14  }
0x3f: {  	v9 =	vsel vm9, v9, v14  }
0x40: {  	v14 =	vperm.xlane v9, v7;
	_ =	sdelay $0x1  }
0x41: {  	vm9 =	vgt.s32 v9, v14  }
0x42: {  	v9 =	vsel vm9, v9, v14  }
0x43: {  	vm9 =	veq.s32 v11, v9;
	vm10 =	veq.s32 v56, v9  }
0x44: {  	vm11 =	veq.s32 v10, v9;
	v11 =	vsel vm9, $0x80000000, v11;
	vm9 =	veq.s32 v12, v9  }
0x45: {  	v13 =	vsel vm10, $0x80000000, v56;
	v59 =	vsel vm11, $0x80000000, v10;
	v12 =	vsel vm9, $0x80000000, v12  }
0x46: {  	vm10 =	vgt.s32 v13, v59;
	vm9 =	vgt.s32 v11, v12  }
0x47: {  	v15 =	vsel vm10, v13, v59;
	v60 =	vsel vm9, v11, v12  }
0x48: {  	vm9 =	vgt.s32 v60, v15  }
0x49: {  	v10 =	vsel vm9, v60, v15  }
0x4a: {  	v15 =	vperm.xlane v10, v4;
	_ =	sdelay $0x1  }
0x4b: {  	vm9 =	vgt.s32 v10, v15  }
0x4c: {  	v10 =	vsel vm9, v10, v15  }
0x4d: {  	v15 =	vperm.xlane v10, v5;
	_ =	sdelay $0x1  }
0x4e: {  	vm9 =	vgt.s32 v10, v15  }
0x4f: {  	v10 =	vsel vm9, v10, v15  }
0x50: {  	v15 =	vperm.xlane v10, v6;
	_ =	sdelay $0x1  }
0x51: {  	vm9 =	vgt.s32 v10, v15  }
0x52: {  	v10 =	vsel vm9, v10, v15  }
0x53: {  	v15 =	vperm.xlane v10, v7;
	_ =	sdelay $0x1  }
0x54: {  	vm9 =	vgt.s32 v10, v15  }
0x55: {  	v10 =	vsel vm9, v10, v15  }
0x56: {  	vm9 =	veq.s32 v11, v10;
	vm10 =	veq.s32 v13, v10  }
0x57: {  	vm11 =	veq.s32 v59, v10;
	v11 =	vsel vm9, $0x80000000, v11;
	vm9 =	veq.s32 v12, v10  }
0x58: {  	v13 =	vsel vm10, $0x80000000, v13;
	v14 =	vsel vm11, $0x80000000, v59;
	v12 =	vsel vm9, $0x80000000, v12  }
0x59: {  	vm10 =	vgt.s32 v13, v14;
	vm9 =	vgt.s32 v11, v12  }
0x5a: {  	v16 =	vsel vm10, v13, v14;
	v61 =	vsel vm9, v11, v12  }
0x5b: {  	vm9 =	vgt.s32 v61, v16  }
0x5c: {  	v15 =	vsel vm9, v61, v16  }
0x5d: {  	v16 =	vperm.xlane v15, v4;
	_ =	sdelay $0x1  }
0x5e: {  	vm9 =	vgt.s32 v15, v16  }
0x5f: {  	v15 =	vsel vm9, v15, v16  }
0x60: {  	v16 =	vperm.xlane v15, v5;
	_ =	sdelay $0x1  }
0x61: {  	vm9 =	vgt.s32 v15, v16  }
0x62: {  	v15 =	vsel vm9, v15, v16  }
0x63: {  	v16 =	vperm.xlane v15, v6;
	_ =	sdelay $0x1  }
0x64: {  	vm9 =	vgt.s32 v15, v16  }
0x65: {  	v15 =	vsel vm9, v15, v16  }
0x66: {  	v16 =	vperm.xlane v15, v7;
	_ =	sdelay $0x1  }
0x67: {  	vm9 =	vgt.s32 v15, v16  }
0x68: {  	v15 =	vsel vm9, v15, v16  }
0x69: {  	vm9 =	veq.s32 v11, v15;
	vm10 =	veq.s32 v13, v15  }
0x6a: {  	vm11 =	veq.s32 v14, v15;
	v11 =	vsel vm9, $0x80000000, v11;
	vm9 =	veq.s32 v12, v15  }
0x6b: {  	v13 =	vsel vm10, $0x80000000, v13;
	v14 =	vsel vm11, $0x80000000, v14;
	v12 =	vsel vm9, $0x80000000, v12  }
0x6c: {  	vm10 =	vgt.s32 v13, v14;
	vm9 =	vgt.s32 v11, v12  }
0x6d: {  	v17 =	vsel vm10, v13, v14;
	v62 =	vsel vm9, v11, v12  }
0x6e: {  	vm9 =	vgt.s32 v62, v17  }
0x6f: {  	v16 =	vsel vm9, v62, v17  }
0x70: {  	v17 =	vperm.xlane v16, v4;
	_ =	sdelay $0x1  }
0x71: {  	vm9 =	vgt.s32 v16, v17  }
0x72: {  	v16 =	vsel vm9, v16, v17  }
0x73: {  	v17 =	vperm.xlane v16, v5;
	_ =	sdelay $0x1  }
0x74: {  	vm9 =	vgt.s32 v16, v17  }
0x75: {  	v16 =	vsel vm9, v16, v17  }
0x76: {  	v17 =	vperm.xlane v16, v6;
	_ =	sdelay $0x1  }
0x77: {  	vm9 =	vgt.s32 v16, v17  }
0x78: {  	v16 =	vsel vm9, v16, v17  }
0x79: {  	v17 =	vperm.xlane v16, v7;
	_ =	sdelay $0x1  }
0x7a: {  	vm9 =	vgt.s32 v16, v17  }
0x7b: {  	v16 =	vsel vm9, v16, v17  }
0x7c: {  	vm9 =	veq.s32 v11, v16;
	vm10 =	veq.s32 v13, v16  }
0x7d: {  	vm11 =	veq.s32 v14, v16;
	v11 =	vsel vm9, $0x80000000, v11;
	vm9 =	veq.s32 v12, v16  }
0x7e: {  	v13 =	vsel vm10, $0x80000000, v13;
	v14 =	vsel vm11, $0x80000000, v14;
	v12 =	vsel vm9, $0x80000000, v12  }
0x7f: {  	vm10 =	vgt.s32 v13, v14;
	vm9 =	vgt.s32 v11, v12  }
0x80: {  	v18 =	vsel vm10, v13, v14;
	v63 =	vsel vm9, v11, v12  }
0x81: {  	vm9 =	vgt.s32 v63, v18  }
0x82: {  	v17 =	vsel vm9, v63, v18  }
0x83: {  	v18 =	vperm.xlane v17, v4;
	_ =	sdelay $0x1  }
0x84: {  	vm9 =	vgt.s32 v17, v18  }
0x85: {  	v17 =	vsel vm9, v17, v18  }
0x86: {  	v18 =	vperm.xlane v17, v5;
	_ =	sdelay $0x1  }
0x87: {  	vm9 =	vgt.s32 v17, v18  }
0x88: {  	v17 =	vsel vm9, v17, v18  }
0x89: {  	v18 =	vperm.xlane v17, v6;
	_ =	sdelay $0x1  }
0x8a: {  	vm9 =	vgt.s32 v17, v18  }
0x8b: {  	v17 =	vsel vm9, v17, v18  }
0x8c: {  	v18 =	vperm.xlane v17, v7;
	_ =	sdelay $0x1  }
0x8d: {  	vm9 =	vgt.s32 v17, v18  }
0x8e: {  	v17 =	vsel vm9, v17, v18  }
0x8f: {  	vm9 =	veq.s32 v11, v17;
	vm10 =	veq.s32 v13, v17  }
0x90: {  	vm11 =	veq.s32 v14, v17;
	v11 =	vsel vm9, $0x80000000, v11;
	vm9 =	veq.s32 v12, v17  }
0x91: {  	v13 =	vsel vm10, $0x80000000, v13;
	v14 =	vsel vm11, $0x80000000, v14;
	v12 =	vsel vm9, $0x80000000, v12  }
0x92: {  	vm10 =	vgt.s32 v13, v14;
	vm9 =	vgt.s32 v11, v12  }
0x93: {  	v19 =	vsel vm10, v13, v14;
	v21 =	vsel vm9, v11, v12  }
0x94: {  	vm9 =	vgt.s32 v21, v19  }
0x95: {  	v18 =	vsel vm9, v21, v19  }
0x96: {  	v19 =	vperm.xlane v18, v4;
	_ =	sdelay $0x1  }
0x97: {  	vm9 =	vgt.s32 v18, v19  }
0x98: {  	v18 =	vsel vm9, v18, v19  }
0x99: {  	v19 =	vperm.xlane v18, v5;
	_ =	sdelay $0x1  }
0x9a: {  	vm9 =	vgt.s32 v18, v19  }
0x9b: {  	v18 =	vsel vm9, v18, v19  }
0x9c: {  	v19 =	vperm.xlane v18, v6;
	_ =	sdelay $0x1  }
0x9d: {  	vm9 =	vgt.s32 v18, v19  }
0x9e: {  	v18 =	vsel vm9, v18, v19  }
0x9f: {  	v19 =	vperm.xlane v18, v7;
	_ =	sdelay $0x1  }
0xa0: {  	vm9 =	vgt.s32 v18, v19  }
0xa1: {  	v18 =	vsel vm9, v18, v19  }
0xa2: {  	vm9 =	veq.s32 v12, v18;
	vm10 =	veq.s32 v14, v18  }
0xa3: {  	v12 =	vsel vm9, $0x80000000, v12;
	v14 =	vsel vm10, $0x80000000, v14  }
0xa4: {  	vm9 =	veq.s32 v11, v18;
	vm10 =	vgt.s32 v11, v12;
	vm11 =	vgt.s32 v13, v14  }
0xa5: {  	v11 =	vsel vm10, v11, v12;
	vm10 =	veq.s32 v13, v18;
	v13 =	vsel vm11, v13, v14  }
0xa6: {  	v11 =	vsel vm9, v12, v11;
	v22 =	vsel vm10, v14, v13  }
0xa7: {  	vm9 =	vgt.s32 v11, v22  }
0xa8: {  	v11 =	vsel vm9, v11, v22  }
0xa9: {  	v12 =	vperm.xlane v11, v4;
	_ =	sdelay $0x1  }
0xaa: {  	vm9 =	vgt.s32 v11, v12  }
0xab: {  	v11 =	vsel vm9, v11, v12  }
0xac: {  	v12 =	vperm.xlane v11, v5;
	_ =	sdelay $0x1  }
0xad: {  	vm9 =	vgt.s32 v11, v12  }
0xae: {  	v11 =	vsel vm9, v11, v12  }
0xaf: {  	v12 =	vperm.xlane v11, v6  }
0xb0: {  	v23 =	vnsel vm0, $0x0, v8  }
0xb1: {  	v9 =	vsel vm1, v23, v9;
	vm9 =	vgt.s32 v11, v12  }
0xb2: {  	v9 =	vsel vm2, v9, v10;
	v24 =	vsel vm9, v11, v12  }
0xb3: {  	v9 =	vsel vm3, v9, v15;
	v11 =	vperm.xlane v24, v7  }
0xb4: {  	v9 =	vsel vm4, v9, v16  }
0xb5: {  	v9 =	vsel vm5, v9, v17;
	vm9 =	vgt.s32 v24, v11  }
0xb6: {  	v9 =	vsel vm6, v9, v18;
	v10 =	vsel vm9, v24, v11  }
0xb7: {  	v26 =	vand.u32 $0xFFFFFFC0, v8;
	v9 =	vsel vm7, v9, v10  }
0xb8: {  	v27 =	vsub.s32 $0x80000000, v26;
	v10 =	vand.u32 $0xFFFFFFC0, v9  }
0xb9: {  	vm10 =	vlt.s32 v8, $0x0;
	vm9 =	vlt.s32 v9, $0x0;
	v25 =	vsub.s32 $0x80000000, v10  }
0xba: {  	v28 =	vsel vm10, v27, v26;
	v8 =	vsel vm9, v25, v10  }
0xbb: {  	v8 =	vsub.f32 v8, v28;
	_ =	sdelay $0x1  }
0xbc: {  	v8 =	vmul.f32 $1.442695020e+00, v8;
	_ =	sdelay $0x1  }
0xbd: {  	(erf) = vpow2.f32 v8;
	_ =	sdelay $0x8  }
0xbe: {  	v8 =	vpop (erf)  }
0xbf: {  	v8 =	vnsel vm8, $0x0, v8  }
0xc0: {  	v29 =	vperm.xlane v8, v4;
	_ =	sdelay $0x1  }
0xc1: {  	v10 =	vadd.f32 v8, v29;
	_ =	sdelay $0x1  }
0xc2: {  	v30 =	vperm.xlane v10, v5;
	_ =	sdelay $0x1  }
0xc3: {  	v10 =	vadd.f32 v10, v30;
	_ =	sdelay $0x1  }
0xc4: {  	v11 =	vperm.xlane v10, v6;
	_ =	sdelay $0x1  }
0xc5: {  	v10 =	vadd.f32 v10, v11;
	_ =	sdelay $0x1  }
0xc6: {  	v11 =	vperm.xlane v10, v7;
	_ =	sdelay $0x1  }
0xc7: {  	v10 =	vadd.f32 v10, v11;
	_ =	sdelay $0x1  }
0xc8: {  	(erf) = vrcp.f32 v10;
	_ =	sdelay $0x8  }
0xc9: {  	v10 =	vpop (erf)  }
0xca: {  	s13 =	sshra.s32 s12, $0x2;
	v9 =	vandn.u32 $0x3F, v9;
	v8 =	vmul.f32 v10, v8  }
0xcb: {  	[tilespmem:s13+$0x14000] =	vst v9  }
0xcc: {  	s14 =	sadd.s32 $0x40, s12;
	[tilespmem:s13+$0x10000] =	vst v8  }
0xcd: {  	s31 =	sor.u32 $0x60, s14;
	v8 =	vld [tilespmem:s11+$0x20]  }
0xce: {  	s15 =	sor.u32 $0x50, s14;
	s14 =	sor.u32 $0x70, s14;
	v31 =	vld [tilespmem:s31+$0x0]  }
0xcf: {  	v33 =	vld [tilespmem:s14+$0x0]  }
0xd0: {  	v9 =	vld [tilespmem:s15+$0x0];
	_ =	sdelay $0x1  }
0xd1: {  	v32 =	vsub.s32 $0x80000000, v8;
	vm9 =	vlt.s32 v8, $0x0  }
0xd2: {  	v35 =	vsub.s32 $0x80000000, v31;
	vm10 =	vlt.s32 v31, $0x0;
	v8 =	vsel vm9, v32, v8  }
0xd3: {  	v36 =	vsub.s32 $0x80000000, v33;
	vm11 =	vlt.s32 v33, $0x0;
	v8 =	vand.u32 $0xFFFFFFC0, v8  }
0xd4: {  	vm9 =	vlt.s32 v9, $0x0;
	v34 =	vor.u32 v0, v8;
	v8 =	vsub.s32 $0x80000000, v9  }
0xd5: {  	v37 =	vsel vm10, v35, v31;
	v38 =	vsel vm11, v36, v33;
	v8 =	vsel vm9, v8, v9  }
0xd6: {  	v10 =	vand.u32 $0xFFFFFFC0, v38;
	v9 =	vand.u32 $0xFFFFFFC0, v37;
	v8 =	vand.u32 $0xFFFFFFC0, v8  }
0xd7: {  	v10 =	vor.u32 v3, v10;
	v9 =	vor.u32 v2, v9;
	v39 =	vor.u32 v1, v8  }
0xd8: {  	vm10 =	vgt.s32 v9, v10;
	vm9 =	vgt.s32 v34, v39  }
0xd9: {  	v40 =	vsel vm10, v9, v10;
	v8 =	vsel vm9, v34, v39  }
0xda: {  	vm9 =	vgt.s32 v8, v40  }
0xdb: {  	v8 =	vsel vm9, v8, v40  }
0xdc: {  	v13 =	vperm.xlane v8, v4;
	_ =	sdelay $0x1  }
0xdd: {  	vm9 =	vgt.s32 v8, v13  }
0xde: {  	v8 =	vsel vm9, v8, v13  }
0xdf: {  	v13 =	vperm.xlane v8, v5;
	_ =	sdelay $0x1  }
0xe0: {  	vm9 =	vgt.s32 v8, v13  }
0xe1: {  	v8 =	vsel vm9, v8, v13  }
0xe2: {  	v13 =	vperm.xlane v8, v6;
	_ =	sdelay $0x1  }
0xe3: {  	vm9 =	vgt.s32 v8, v13  }
0xe4: {  	v8 =	vsel vm9, v8, v13  }
0xe5: {  	v13 =	vperm.xlane v8, v7;
	_ =	sdelay $0x1  }
0xe6: {  	vm9 =	vgt.s32 v8, v13  }
0xe7: {  	v8 =	vsel vm9, v8, v13  }
0xe8: {  	vm9 =	veq.s32 v34, v8;
	vm10 =	veq.s32 v9, v8  }
0xe9: {  	vm11 =	veq.s32 v10, v8;
	v11 =	vsel vm9, $0x80000000, v34;
	vm9 =	veq.s32 v39, v8  }
0xea: {  	v41 =	vsel vm10, $0x80000000, v9;
	v10 =	vsel vm11, $0x80000000, v10;
	v12 =	vsel vm9, $0x80000000, v39  }
0xeb: {  	vm10 =	vgt.s32 v41, v10;
	vm9 =	vgt.s32 v11, v12  }
0xec: {  	v43 =	vsel vm10, v41, v10;
	v42 =	vsel vm9, v11, v12  }
0xed: {  	vm9 =	vgt.s32 v42, v43  }
0xee: {  	v9 =	vsel vm9, v42, v43  }
0xef: {  	v14 =	vperm.xlane v9, v4;
	_ =	sdelay $0x1  }
0xf0: {  	vm9 =	vgt.s32 v9, v14  }
0xf1: {  	v9 =	vsel vm9, v9, v14  }
0xf2: {  	v14 =	vperm.xlane v9, v5;
	_ =	sdelay $0x1  }
0xf3: {  	vm9 =	vgt.s32 v9, v14  }
0xf4: {  	v9 =	vsel vm9, v9, v14  }
0xf5: {  	v14 =	vperm.xlane v9, v6;
	_ =	sdelay $0x1  }
0xf6: {  	vm9 =	vgt.s32 v9, v14  }
0xf7: {  	v9 =	vsel vm9, v9, v14  }
0xf8: {  	v14 =	vperm.xlane v9, v7;
	_ =	sdelay $0x1  }
0xf9: {  	vm9 =	vgt.s32 v9, v14  }
0xfa: {  	v9 =	vsel vm9, v9, v14  }
0xfb: {  	vm9 =	veq.s32 v11, v9;
	vm10 =	veq.s32 v41, v9  }
0xfc: {  	vm11 =	veq.s32 v10, v9;
	v11 =	vsel vm9, $0x80000000, v11;
	vm9 =	veq.s32 v12, v9  }
0xfd: {  	v13 =	vsel vm10, $0x80000000, v41;
	v44 =	vsel vm11, $0x80000000, v10;
	v12 =	vsel vm9, $0x80000000, v12  }
0xfe: {  	vm10 =	vgt.s32 v13, v44;
	vm9 =	vgt.s32 v11, v12  }
0xff: {  	v46 =	vsel vm10, v13, v44;
	v45 =	vsel vm9, v11, v12  }
0x100: {  	vm9 =	vgt.s32 v45, v46  }
0x101: {  	v10 =	vsel vm9, v45, v46  }
0x102: {  	v15 =	vperm.xlane v10, v4;
	_ =	sdelay $0x1  }
0x103: {  	vm9 =	vgt.s32 v10, v15  }
0x104: {  	v10 =	vsel vm9, v10, v15  }
0x105: {  	v15 =	vperm.xlane v10, v5;
	_ =	sdelay $0x1  }
0x106: {  	vm9 =	vgt.s32 v10, v15  }
0x107: {  	v10 =	vsel vm9, v10, v15  }
0x108: {  	v15 =	vperm.xlane v10, v6;
	_ =	sdelay $0x1  }
0x109: {  	vm9 =	vgt.s32 v10, v15  }
0x10a: {  	v10 =	vsel vm9, v10, v15  }
0x10b: {  	v15 =	vperm.xlane v10, v7;
	_ =	sdelay $0x1  }
0x10c: {  	vm9 =	vgt.s32 v10, v15  }
0x10d: {  	v10 =	vsel vm9, v10, v15  }
0x10e: {  	vm9 =	veq.s32 v11, v10;
	vm10 =	veq.s32 v13, v10  }
0x10f: {  	vm11 =	veq.s32 v44, v10;
	v11 =	vsel vm9, $0x80000000, v11;
	vm9 =	veq.s32 v12, v10  }
0x110: {  	v13 =	vsel vm10, $0x80000000, v13;
	v14 =	vsel vm11, $0x80000000, v44;
	v12 =	vsel vm9, $0x80000000, v12  }
0x111: {  	vm10 =	vgt.s32 v13, v14;
	vm9 =	vgt.s32 v11, v12  }
0x112: {  	v48 =	vsel vm10, v13, v14;
	v47 =	vsel vm9, v11, v12  }
0x113: {  	vm9 =	vgt.s32 v47, v48  }
0x114: {  	v15 =	vsel vm9, v47, v48  }
0x115: {  	v16 =	vperm.xlane v15, v4;
	_ =	sdelay $0x1  }
0x116: {  	vm9 =	vgt.s32 v15, v16  }
0x117: {  	v15 =	vsel vm9, v15, v16  }
0x118: {  	v16 =	vperm.xlane v15, v5;
	_ =	sdelay $0x1  }
0x119: {  	vm9 =	vgt.s32 v15, v16  }
0x11a: {  	v15 =	vsel vm9, v15, v16  }
0x11b: {  	v16 =	vperm.xlane v15, v6;
	_ =	sdelay $0x1  }
0x11c: {  	vm9 =	vgt.s32 v15, v16  }
0x11d: {  	v15 =	vsel vm9, v15, v16  }
0x11e: {  	v16 =	vperm.xlane v15, v7;
	_ =	sdelay $0x1  }
0x11f: {  	vm9 =	vgt.s32 v15, v16  }
0x120: {  	v15 =	vsel vm9, v15, v16  }
0x121: {  	vm9 =	veq.s32 v11, v15;
	vm10 =	veq.s32 v13, v15  }
0x122: {  	vm11 =	veq.s32 v14, v15;
	v11 =	vsel vm9, $0x80000000, v11;
	vm9 =	veq.s32 v12, v15  }
0x123: {  	v13 =	vsel vm10, $0x80000000, v13;
	v14 =	vsel vm11, $0x80000000, v14;
	v12 =	vsel vm9, $0x80000000, v12  }
0x124: {  	vm10 =	vgt.s32 v13, v14;
	vm9 =	vgt.s32 v11, v12  }
0x125: {  	v50 =	vsel vm10, v13, v14;
	v49 =	vsel vm9, v11, v12  }
0x126: {  	vm9 =	vgt.s32 v49, v50  }
0x127: {  	v16 =	vsel vm9, v49, v50  }
0x128: {  	v17 =	vperm.xlane v16, v4;
	_ =	sdelay $0x1  }
0x129: {  	vm9 =	vgt.s32 v16, v17  }
0x12a: {  	v16 =	vsel vm9, v16, v17  }
0x12b: {  	v17 =	vperm.xlane v16, v5;
	_ =	sdelay $0x1  }
0x12c: {  	vm9 =	vgt.s32 v16, v17  }
0x12d: {  	v16 =	vsel vm9, v16, v17  }
0x12e: {  	v17 =	vperm.xlane v16, v6;
	_ =	sdelay $0x1  }
0x12f: {  	vm9 =	vgt.s32 v16, v17  }
0x130: {  	v16 =	vsel vm9, v16, v17  }
0x131: {  	v17 =	vperm.xlane v16, v7;
	_ =	sdelay $0x1  }
0x132: {  	vm9 =	vgt.s32 v16, v17  }
0x133: {  	v16 =	vsel vm9, v16, v17  }
0x134: {  	vm9 =	veq.s32 v11, v16;
	vm10 =	veq.s32 v13, v16  }
0x135: {  	vm11 =	veq.s32 v14, v16;
	v11 =	vsel vm9, $0x80000000, v11;
	vm9 =	veq.s32 v12, v16  }
0x136: {  	v13 =	vsel vm10, $0x80000000, v13;
	v14 =	vsel vm11, $0x80000000, v14;
	v12 =	vsel vm9, $0x80000000, v12  }
0x137: {  	vm10 =	vgt.s32 v13, v14;
	vm9 =	vgt.s32 v11, v12  }
0x138: {  	v52 =	vsel vm10, v13, v14;
	v51 =	vsel vm9, v11, v12  }
0x139: {  	vm9 =	vgt.s32 v51, v52  }
0x13a: {  	v17 =	vsel vm9, v51, v52  }
0x13b: {  	v18 =	vperm.xlane v17, v4;
	_ =	sdelay $0x1  }
0x13c: {  	vm9 =	vgt.s32 v17, v18  }
0x13d: {  	v17 =	vsel vm9, v17, v18  }
0x13e: {  	v18 =	vperm.xlane v17, v5;
	_ =	sdelay $0x1  }
0x13f: {  	vm9 =	vgt.s32 v17, v18  }
0x140: {  	v17 =	vsel vm9, v17, v18  }
0x141: {  	v18 =	vperm.xlane v17, v6;
	_ =	sdelay $0x1  }
0x142: {  	vm9 =	vgt.s32 v17, v18  }
0x143: {  	v17 =	vsel vm9, v17, v18  }
0x144: {  	v18 =	vperm.xlane v17, v7;
	_ =	sdelay $0x1  }
0x145: {  	vm9 =	vgt.s32 v17, v18  }
0x146: {  	v17 =	vsel vm9, v17, v18  }
0x147: {  	vm9 =	veq.s32 v11, v17;
	vm10 =	veq.s32 v13, v17  }
0x148: {  	vm11 =	veq.s32 v14, v17;
	v11 =	vsel vm9, $0x80000000, v11;
	vm9 =	veq.s32 v12, v17  }
0x149: {  	v13 =	vsel vm10, $0x80000000, v13;
	v14 =	vsel vm11, $0x80000000, v14;
	v12 =	vsel vm9, $0x80000000, v12  }
0x14a: {  	vm10 =	vgt.s32 v13, v14;
	vm9 =	vgt.s32 v11, v12  }
0x14b: {  	v54 =	vsel vm10, v13, v14;
	v53 =	vsel vm9, v11, v12  }
0x14c: {  	vm9 =	vgt.s32 v53, v54  }
0x14d: {  	v18 =	vsel vm9, v53, v54  }
0x14e: {  	v19 =	vperm.xlane v18, v4;
	_ =	sdelay $0x1  }
0x14f: {  	vm9 =	vgt.s32 v18, v19  }
0x150: {  	v18 =	vsel vm9, v18, v19  }
0x151: {  	v19 =	vperm.xlane v18, v5;
	_ =	sdelay $0x1  }
0x152: {  	vm9 =	vgt.s32 v18, v19  }
0x153: {  	v18 =	vsel vm9, v18, v19  }
0x154: {  	v19 =	vperm.xlane v18, v6;
	_ =	sdelay $0x1  }
0x155: {  	vm9 =	vgt.s32 v18, v19  }
0x156: {  	v18 =	vsel vm9, v18, v19  }
0x157: {  	v19 =	vperm.xlane v18, v7;
	_ =	sdelay $0x1  }
0x158: {  	vm9 =	vgt.s32 v18, v19  }
0x159: {  	v18 =	vsel vm9, v18, v19  }
0x15a: {  	vm9 =	veq.s32 v12, v18;
	vm10 =	veq.s32 v14, v18  }
0x15b: {  	v12 =	vsel vm9, $0x80000000, v12;
	v14 =	vsel vm10, $0x80000000, v14  }
0x15c: {  	vm9 =	veq.s32 v11, v18;
	vm10 =	vgt.s32 v11, v12;
	vm11 =	vgt.s32 v13, v14  }
0x15d: {  	v11 =	vsel vm10, v11, v12;
	vm10 =	veq.s32 v13, v18;
	v13 =	vsel vm11, v13, v14  }
0x15e: {  	v11 =	vsel vm9, v12, v11;
	v55 =	vsel vm10, v14, v13  }
0x15f: {  	vm9 =	vgt.s32 v11, v55  }
0x160: {  	v11 =	vsel vm9, v11, v55  }
0x161: {  	v12 =	vperm.xlane v11, v4;
	_ =	sdelay $0x1  }
0x162: {  	vm9 =	vgt.s32 v11, v12  }
0x163: {  	v11 =	vsel vm9, v11, v12  }
0x164: {  	v12 =	vperm.xlane v11, v5;
	_ =	sdelay $0x1  }
0x165: {  	vm9 =	vgt.s32 v11, v12  }
0x166: {  	v11 =	vsel vm9, v11, v12  }
0x167: {  	v12 =	vperm.xlane v11, v6  }
0x168: {  	v56 =	vnsel vm0, $0x0, v8  }
0x169: {  	v9 =	vsel vm1, v56, v9;
	vm9 =	vgt.s32 v11, v12  }
0x16a: {  	v9 =	vsel vm2, v9, v10;
	v57 =	vsel vm9, v11, v12  }
0x16b: {  	v9 =	vsel vm3, v9, v15;
	v11 =	vperm.xlane v57, v7  }
0x16c: {  	v9 =	vsel vm4, v9, v16  }
0x16d: {  	v9 =	vsel vm5, v9, v17;
	vm9 =	vgt.s32 v57, v11  }
0x16e: {  	v9 =	vsel vm6, v9, v18;
	v10 =	vsel vm9, v57, v11  }
0x16f: {  	v59 =	vand.u32 $0xFFFFFFC0, v8;
	v9 =	vsel vm7, v9, v10  }
0x170: {  	v60 =	vsub.s32 $0x80000000, v59;
	v10 =	vand.u32 $0xFFFFFFC0, v9  }
0x171: {  	vm10 =	vlt.s32 v8, $0x0;
	vm9 =	vlt.s32 v9, $0x0;
	v58 =	vsub.s32 $0x80000000, v10  }
0x172: {  	v61 =	vsel vm10, v60, v59;
	v8 =	vsel vm9, v58, v10  }
0x173: {  	v8 =	vsub.f32 v8, v61;
	_ =	sdelay $0x1  }
0x174: {  	v8 =	vmul.f32 $1.442695020e+00, v8;
	_ =	sdelay $0x1  }
0x175: {  	(erf) = vpow2.f32 v8;
	_ =	sdelay $0x8  }
0x176: {  	v8 =	vpop (erf)  }
0x177: {  	v8 =	vnsel vm8, $0x0, v8  }
0x178: {  	v62 =	vperm.xlane v8, v4;
	_ =	sdelay $0x1  }
0x179: {  	v10 =	vadd.f32 v8, v62;
	_ =	sdelay $0x1  }
0x17a: {  	v63 =	vperm.xlane v10, v5;
	_ =	sdelay $0x1  }
0x17b: {  	v10 =	vadd.f32 v10, v63;
	_ =	sdelay $0x1  }
0x17c: {  	v11 =	vperm.xlane v10, v6;
	_ =	sdelay $0x1  }
0x17d: {  	v10 =	vadd.f32 v10, v11;
	_ =	sdelay $0x1  }
0x17e: {  	v11 =	vperm.xlane v10, v7;
	_ =	sdelay $0x1  }
0x17f: {  	v10 =	vadd.f32 v10, v11;
	_ =	sdelay $0x1  }
0x180: {  	(erf) = vrcp.f32 v10;
	_ =	sdelay $0x6  }
0x181: {  	p0 =	sne.s32 s12, $0xFF80  }
.Ltmp0:
0x182: {  	_ = 	snop;
	(pc) =	sbr.rel @p0 .LBB2_2-.Ltmp0, $4  }
0x183: {  	v10 =	vpop (erf)  }
0x184: {  	v9 =	vandn.u32 $0x3F, v9;
	v8 =	vmul.f32 v10, v8  }
0x185: {  	[tilespmem:s13+$0x14010] =	vst v9  }
0x186: {  	s12 =	sadd.s32 $0x80, s12;
	s11 =	sadd.s32 $0x80, s11;
	[tilespmem:s13+$0x10010] =	vst v8  }
0x187: {  	[hbm4b:s4+s2] =	stream.linear.scatter [tilespmem:s8], [sflag:$0x1], $0x4000, $0x38;
	[tilespmem:$0x18000] =	vst v63  }
0x188: {  	s10 =	sadd.s32 $0x1, s10;
	_ =	swait.ge [sflag:s7], $0x4000  }
0x189: {  	p0 =	sne.s32 s10, s6;
	[sflag:s7] =	ssyncset.done $0x0  }
.Ltmp1:
0x18a: {  	[sflag:s7] =	ssyncadd.s32 $0xFFFFC000;
	(pc) =	sbr.rel @p0 .LBB2_1-.Ltmp1, $4  }
0x18b: {  	[hbm4b:s5+s2] =	stream.linear.scatter [tilespmem:s9], [sflag:$0x1], $0x4000, $0x38;
	[tilespmem:$0x18000] =	vst v63  }
0x18c: {  	_ =	swait.ge [sflag:s7], $0x4000  }
0x18d: {  	[sflag:s7] =	ssyncset.done $0x0  }
0x18e: {  	[sflag:s7] =	ssyncadd.s32 $0xFFFFC000  }
0x18f: {  	_ =	sfence.sel $0x180000  }
0x190: {  	[bflag:$0x0] =	sbarrier.arrive $0xFFFF  }
0x191: {  	p0 =	sne.s32 s1, $0x0;
	_ =	strace $0x90000047  }
0x192: {  	s0 =	sadd.s32 @!p0 $0x100000, s0;
	[bflag:$0x2] =	sbarrier.arrive $0xFFFF  }
0x193: {  	[sflag:s0] =	ssyncadd.tile.s32 @!p0 $0x1;
	_ =	shalt  }
.Lfunc_end2:
_tile_overlayer_lowered:
.L_overlay_start_2:
0x194: {  	(tag) =	ssettag $0x2  }
0x195: {  	s0 =	rddreg [dreg:$0x0];
	s2 =	stileid.u32  }
0x196: {  	s1 =	rddreg [dreg:$0x1];
	p0 =	sne.s32 s2, $0x0  }
0x197: {  	s3 =	rddreg [dreg:$0x2];
	[bflag:$0x3] =	sbarrier.arrive $0xFFFF;
	s2 =	simm.s32 @!p0 $0x1C01  }
0x198: {  	[timem:s3], [sflag:s2] =	dma.local @!p0 [hbm:s0], s1  }
0x199: {  	s0 =	simm.s32 @!p0 $0x1  }
0x19a: {  	_ =	swait.ge @!p0 [sflag:s0], s1  }
0x19b: {  	s1 =	ssub.s32 @!p0 $0x0, s1;
	[sflag:s0] =	ssyncset.done @!p0 $0x0  }
0x19c: {  	[sflag:s0] =	ssyncadd.s32 @!p0 s1  }
0x19d: {  	[bflag:$0x3] =	sbarrier.arrive $0xFFFF  }
0x19e: {  	_ =	shalt  }

</sc_bundles>
